<compile_context>
chip_gen: v7x
topology: tpu7x:2x2x1
jax: 0.10.2.dev20260603
libtpu: 0.0.44.dev20260713+nightly
codegen_flags: <defaults>
</compile_context>

<pallas_src>
import functools
import jax
import jax.numpy as jnp
from jax import lax
from jax.experimental import pallas as pl
from jax.experimental.pallas import tpu as pltpu
from jax.experimental.pallas import tpu_sc as plsc

V = 128
D = 128
THR = 0.1
TEMP = 0.01
B = 4
L = 64
NE = 1024

ROWS_MAIN = B * V * V
ROWS_ALL = ROWS_MAIN + B * V
RC = 2048
NB = ROWS_MAIN // RC
CPB = (V * V) // RC


def _attn_kernel(x_ref, wq_ref, bq_ref, wk_ref, bk_ref, out_ref, q_s, k_s):
    x = x_ref[0].reshape(L * V, D)
    q = lax.dot_general(x, wq_ref[...], (((1,), (1,)), ((), ()))) + bq_ref[...]
    k = lax.dot_general(x, wk_ref[...], (((1,), (1,)), ((), ()))) + bk_ref[...]
    q_s[...] = q.reshape(L, V, D)
    k_s[...] = k.reshape(L, V, D)

    sqrt_d = jnp.sqrt(jnp.float32(D))

    def body(l, _):
        ql = q_s[l]
        kl = k_s[l]
        s = lax.dot_general(ql, kl, (((1,), (1,)), ((), ())))
        s = s / sqrt_d
        s = s / TEMP
        m1 = jnp.max(s, axis=1, keepdims=True)
        e1 = jnp.exp(s - m1)
        a1 = e1 / jnp.sum(e1, axis=1, keepdims=True)
        s2 = a1 / TEMP
        m2 = jnp.max(s2, axis=0, keepdims=True)
        e2 = jnp.exp(s2 - m2)
        a2 = e2 / jnp.sum(e2, axis=0, keepdims=True)
        a3 = (a2 + a2.T) / 2.0
        a4 = jnp.where(a3 >= THR, a3, jnp.zeros_like(a3))
        out_ref[0, l] = a4
        return 0

    lax.fori_loop(0, L, body, 0, unroll=False)


def _emit_kernel(w_ref, adj_ref, ew_ref, ei_ref):
    p = pl.program_id(0)
    at = w_ref[0].T
    w = at + adj_ref[...]
    r = p * RC + lax.broadcasted_iota(jnp.int32, (RC, 1), 0)
    i_loc = lax.shift_right_logical(r, 7) & (V - 1)
    j_loc = r & (V - 1)
    diag = i_loc == j_loc
    w = jnp.where(diag, 0.0, w)
    is_tail = r >= ROWS_MAIN
    w_out = jnp.where(is_tail, 1.0, w)
    valid = w_out != 0.0
    rowid = lax.shift_right_logical(r, 7)
    colid = lax.shift_left(lax.shift_right_logical(r, 14), 7) | j_loc
    n_tail = r - ROWS_MAIN
    ei0 = jnp.where(is_tail, n_tail, jnp.where(valid, rowid, -1))
    ei1 = jnp.where(is_tail, n_tail, jnp.where(valid, colid, -1))
    ew_ref[...] = w_out
    ei_ref[0] = ei0
    ei_ref[1] = ei1


E_TOT = B * NE
NCORE = 2
NSUB = 16
EPS = E_TOT // NSUB
HALF = ROWS_MAIN // NCORE
CPW = HALF // NSUB
ACC_N = HALF + 16


def _adj_sc_kernel(e0_hbm, e1_hbm, w_hbm, out_hbm,
                   e0_v, e1_v, w_v, idx_v, stage_v, acc_sh):
    c = lax.axis_index("c")
    s = lax.axis_index("s")

    def zbody(t, _):
        stage_v[pl.ds(t * 16, 16)] = jnp.zeros((16,), jnp.float32)
        return 0
    lax.fori_loop(0, CPW // 16, zbody, 0, unroll=False)
    pltpu.sync_copy(stage_v, acc_sh.at[pl.ds(s * CPW, CPW)])

    @pl.when(s == 0)
    def _():
        pltpu.sync_copy(stage_v.at[pl.ds(0, 16)], acc_sh.at[pl.ds(HALF, 16)])

    pltpu.sync_copy(e0_hbm.at[pl.ds(s * EPS, EPS)], e0_v)
    pltpu.sync_copy(e1_hbm.at[pl.ds(s * EPS, EPS)], e1_v)
    pltpu.sync_copy(w_hbm.at[pl.ds(s * EPS, EPS)], w_v)

    base = c * HALF
    for t in range(EPS // 16):
        sl = pl.ds(t * 16, 16)
        e0 = e0_v[sl]
        e1 = e1_v[sl]
        idx = lax.shift_left(e0, 7) | (e1 & (V - 1))
        loc = idx - base
        inr = (loc >= 0) & (loc < HALF)
        idx_v[sl] = jnp.where(inr, loc, HALF)

    plsc.subcore_barrier()
    pltpu.sync_copy(w_v, acc_sh.at[idx_v], add=True)
    plsc.subcore_barrier()

    pltpu.sync_copy(acc_sh.at[pl.ds(s * CPW, CPW)],
                    out_hbm.at[pl.ds(base + s * CPW, CPW)])


def _build_adj_flat(edge_index, edge_weight):
    f = functools.partial(
        pl.kernel,
        mesh=plsc.VectorSubcoreMesh(core_axis_name="c", subcore_axis_name="s"),
        out_type=jax.ShapeDtypeStruct((ROWS_MAIN,), jnp.float32),
        scratch_types=[
            pltpu.VMEM((EPS,), jnp.int32),
            pltpu.VMEM((EPS,), jnp.int32),
            pltpu.VMEM((EPS,), jnp.float32),
            pltpu.VMEM((EPS,), jnp.int32),
            pltpu.VMEM((CPW,), jnp.float32),
            pltpu.VMEM_SHARED((ACC_N,), jnp.float32),
        ],
    )(_adj_sc_kernel)
    return f(edge_index[0], edge_index[1], edge_weight)


@jax.jit
def kernel(hidden_states, edge_index, edge_weight, Wq, bq, Wk, bk):
    adj_flat = _build_adj_flat(edge_index, edge_weight)

    h_t = jnp.transpose(hidden_states.reshape(B, V, L, D), (0, 2, 1, 3))

    a4 = pl.pallas_call(
        _attn_kernel,
        grid=(B,),
        in_specs=[
            pl.BlockSpec((1, L, V, D), lambda b: (b, 0, 0, 0)),
            pl.BlockSpec((D, D), lambda b: (0, 0)),
            pl.BlockSpec((1, D), lambda b: (0, 0)),
            pl.BlockSpec((D, D), lambda b: (0, 0)),
            pl.BlockSpec((1, D), lambda b: (0, 0)),
        ],
        out_specs=pl.BlockSpec((1, L, V, V), lambda b: (b, 0, 0, 0)),
        out_shape=jax.ShapeDtypeStruct((B, L, V, V), jnp.float32),
        scratch_shapes=[
            pltpu.VMEM((L, V, D), jnp.float32),
            pltpu.VMEM((L, V, D), jnp.float32),
        ],
    )(h_t, Wq, bq.reshape(1, D), Wk, bk.reshape(1, D))

    w2 = a4.reshape(B, L, V * V)
    adj2 = adj_flat.reshape(ROWS_MAIN, 1)

    ew, ei = pl.pallas_call(
        _emit_kernel,
        grid=(NB + 1,),
        in_specs=[
            pl.BlockSpec(
                (1, L, RC),
                lambda p: (jnp.minimum(p // CPB, B - 1), 0,
                           jnp.where(p >= NB, CPB - 1, lax.rem(p, CPB))),
            ),
            pl.BlockSpec((RC, 1), lambda p: (jnp.minimum(p, NB - 1), 0)),
        ],
        out_specs=[
            pl.BlockSpec((RC, L), lambda p: (p, 0)),
            pl.BlockSpec((2, RC, L), lambda p: (0, p, 0)),
        ],
        out_shape=[
            jax.ShapeDtypeStruct((ROWS_ALL, L), jnp.float32),
            jax.ShapeDtypeStruct((2, ROWS_ALL, L), jnp.int32),
        ],
    )(w2, adj2)

    return ei, ew

# --- scband reference (transcript-rebuilt; emitter-appended) ---
"""Pipeline reference for scband-edge-learner-85899346395 (READ-ONLY COPY).

The authoritative reference and input builder live on the scoring server;
editing this copy changes nothing except your own understanding.
"""

import jax, jax.numpy as jnp
import numpy as np

V = 128
D = 128
THR = 0.1
TEMP = 0.01
B = 4
L = 64
NE = 1024

def setup_inputs(seed: int = 0) -> dict:
    key = jax.random.key(seed)
    ks = jax.random.split(key, 8)
    hidden_states = jax.random.normal(ks[0], (B * V, L, D), dtype=jnp.float32)
    edge_index = jax.random.randint(ks[1], (2, B * NE), 0, B * V, dtype=jnp.int32)
    edge_weight = jax.random.uniform(ks[2], (B * NE,), dtype=jnp.float32)
    Wq = jax.random.normal(ks[3], (D, D), dtype=jnp.float32) * 0.05
    bq = jax.random.normal(ks[4], (D,), dtype=jnp.float32) * 0.05
    Wk = jax.random.normal(ks[5], (D, D), dtype=jnp.float32) * 0.05
    bk = jax.random.normal(ks[6], (D,), dtype=jnp.float32) * 0.05
    return {"hidden_states": hidden_states, "edge_index": edge_index, "edge_weight": edge_weight, "Wq": Wq, "bq": bq, "Wk": Wk, "bk": bk}


def reference(hidden_states, edge_index, edge_weight, Wq, bq, Wk, bk):
    # --- to_dense_adj(edge_index, batch=arange(B).repeat_interleave(V), edge_attr=edge_weight) ---
    b = edge_index[0] // V
    i = edge_index[0] % V
    j = edge_index[1] % V
    batch_adj = jnp.zeros((B, V, V), jnp.float32).at[b, i, j].add(edge_weight)

    h = hidden_states.reshape(B, V, L, D)
    Q = h @ Wq.T + bq
    K = h @ Wk.T + bk
    scores = jnp.einsum('bvld,bwld->bvwl', Q, K) / jnp.sqrt(jnp.float32(D))
    a = jax.nn.softmax(scores / TEMP, axis=2)   # dim=-2 of bvwl (w)
    a = jax.nn.softmax(a / TEMP, axis=1)        # dim=-3 of bvwl (v)
    a = (a + jnp.transpose(a, (0, 2, 1, 3))) / 2.0
    a = jnp.where(a >= THR, a, jnp.zeros_like(a))
    curr = a + batch_adj[:, :, :, None]  # broadcast over seq_len

    # --- static-shape dense_to_sparse + remove_self_loops + add_self_loops(fill=1) ---
    # Full (b,i,j) grid in row-major order (same entry order dense_to_sparse would emit),
    # with invalid (zero / self-loop) entries masked as index=-1, weight=0 instead of compacted;
    # B*V self-loop edges with weight 1 appended at the end.
    bb = jnp.repeat(jnp.arange(B), V * V)
    ii = jnp.tile(jnp.repeat(jnp.arange(V), V), B)
    jj = jnp.tile(jnp.arange(V), B * V)
    w = curr.reshape(B * V * V, L)
    diag = (ii == jj)
    w = jnp.where(diag[:, None], 0.0, w)
    valid = w != 0.0
    row = ii + V * bb
    col = jj + V * bb
    ei_row = jnp.where(valid, row[:, None], -1)
    ei_col = jnp.where(valid, col[:, None], -1)
    n = jnp.arange(B * V)
    sl = jnp.broadcast_to(n[:, None], (B * V, L))
    edge_index_out = jnp.stack([
        jnp.concatenate([ei_row, sl], axis=0),
        jnp.concatenate([ei_col, sl], axis=0),
    ], axis=0)
    edge_weight_out = jnp.concatenate([w, jnp.ones((B * V, L), jnp.float32)], axis=0)
    return edge_index_out, edge_weight_out

if __name__ == "__main__":
    import jax
    _d = setup_inputs()
    print(jax.jit(kernel)(*tuple(_d.values())))

</pallas_src>

<mosaic_0001>
#map = affine_map<(d0, d1) -> (0)>
module attributes {stable_mosaic.version = 14 : i64} {
  func.func @_adj_sc_kernel(%arg0: i32, %arg1: i32, %arg2: memref<4096xi32, #tpu.memory_space<hbm>>, %arg3: memref<4096xi32, #tpu.memory_space<hbm>>, %arg4: memref<4096xf32, #tpu.memory_space<hbm>>, %arg5: memref<65536xf32, #tpu.memory_space<hbm>>, %arg6: memref<256xi32, #tpu.memory_space<vmem>>, %arg7: memref<256xi32, #tpu.memory_space<vmem>>, %arg8: memref<256xf32, #tpu.memory_space<vmem>>, %arg9: memref<256xi32, #tpu.memory_space<vmem>>, %arg10: memref<2048xf32, #tpu.memory_space<vmem>>, %arg11: memref<32784xf32, #tpu.memory_space<vmem_shared>>) attributes {dimension_semantics = [#tpu.dimension_semantics<core_parallel>, #tpu.dimension_semantics<subcore_parallel>], iteration_bounds = array<i64: 2, 16>, scalar_prefetch = 0 : i64, scratch_operands = 6 : i64, tpu.core_type = #tpu.core_type<sc_vector_subcore>, window_params = [{transform_indices = #map}, {transform_indices = #map}, {transform_indices = #map}, {transform_indices = #map}]} {
    %scan3A = arith.constant 0 : i32
    %scan3A_0 = arith.constant 0 : i32
    %scan3A_1 = arith.constant 128 : i32
    %scan3A_2 = arith.addi %scan3A_0, %scan3A_1 : i32
    %scan3A_3 = arith.constant 1 : i32
    %scan3A_4 = scf.for %scan3A_475 = %scan3A_0 to %scan3A_2 step %scan3A_3 iter_args(%scan3A_476 = %scan3A) -> (i32)  : i32 {
      %broadcast_in_dim3A_477 = arith.constant 0.000000e+00 : f32
      %broadcast_in_dim3A_478 = vector.broadcast %broadcast_in_dim3A_477 : f32 to vector<16xf32>
      %mul3A_479 = arith.constant 16 : i32
      %mul3A_480 = arith.muli %scan3A_475, %mul3A_479 : i32
      %swap3A_481 = arith.index_cast %mul3A_480 : i32 to index
      %swap3A_482 = tpu.vector_load %arg10[%swap3A_481] {strides = array<i32>} : memref<2048xf32, #tpu.memory_space<vmem>>, vector<16xf32>,
      %swap3A_483 = vector.shape_cast %swap3A_482 : vector<16xf32> to vector<16xf32>
      %swap3A_484 = vector.shape_cast %broadcast_in_dim3A_478 : vector<16xf32> to vector<16xf32>
      tpu.vector_store %arg10[%swap3A_481], %swap3A_484 {strides = array<i32>} : memref<2048xf32, #tpu.memory_space<vmem>>, vector<16xf32>,
      %scan3A_485 = arith.constant 0 : i32
      scf.yield %scan3A_485 : i32
    }
    %scan3A_5 = arith.constant 128 : i32
    %mul3A = arith.constant 2048 : i32
    %mul3A_6 = arith.muli %arg1, %mul3A : i32
    "tpu.region"() ({
      %run_scoped3A = tpu.sem_alloc : memref<!tpu.dma_semaphore, #tpu.memory_space<semaphore_mem>>
      %dma_start3A = tpu.memref_slice %arg11[%mul3A_6] : memref<32784xf32, #tpu.memory_space<vmem_shared>> -> memref<2048xf32, #tpu.memory_space<vmem_shared>>
      %dma_start3A_475 = tpu.memref_slice %arg11[%mul3A_6] : memref<32784xf32, #tpu.memory_space<vmem_shared>> -> memref<2048xf32, #tpu.memory_space<vmem_shared>>
      tpu.enqueue_dma source(%arg10 : memref<2048xf32, #tpu.memory_space<vmem>>) target(%dma_start3A_475 : memref<2048xf32, #tpu.memory_space<vmem_shared>>) target_semaphore(%run_scoped3A : memref<!tpu.dma_semaphore, #tpu.memory_space<semaphore_mem>>)
      %dma_wait3A = tpu.memref_slice %arg11[%mul3A_6] : memref<32784xf32, #tpu.memory_space<vmem_shared>> -> memref<2048xf32, #tpu.memory_space<vmem_shared>>
      %dma_wait3A_476 = tpu.memref_slice %arg11[%mul3A_6] : memref<32784xf32, #tpu.memory_space<vmem_shared>> -> memref<2048xf32, #tpu.memory_space<vmem_shared>>
      tpu.wait_dma2 semaphore(%run_scoped3A : memref<!tpu.dma_semaphore, #tpu.memory_space<semaphore_mem>>) src(%arg10 : memref<2048xf32, #tpu.memory_space<vmem>>) dst(%dma_wait3A_476 : memref<2048xf32, #tpu.memory_space<vmem_shared>>)
      tpu.yield
    }) : () -> ()
    %eq3A = arith.constant 0 : i32
    %eq3A_7 = arith.cmpi eq, %arg1, %eq3A : i32
    %convert_element_type3A = arith.extui %eq3A_7 : i1 to i32
    %cond3A = arith.constant 0 : i32
    %cond3A_8 = arith.cmpi ne, %convert_element_type3A, %cond3A : i32
    scf.if %cond3A_8 {
      "tpu.region"() ({
        %run_scoped3A = tpu.sem_alloc : memref<!tpu.dma_semaphore, #tpu.memory_space<semaphore_mem>>
        %dma_start3A = arith.constant 0 : i32
        %dma_start3A_475 = tpu.memref_slice %arg10[%dma_start3A] : memref<2048xf32, #tpu.memory_space<vmem>> -> memref<16xf32, #tpu.memory_space<vmem>>
        %dma_start3A_476 = arith.constant 32768 : i32
        %dma_start3A_477 = tpu.memref_slice %arg11[%dma_start3A_476] : memref<32784xf32, #tpu.memory_space<vmem_shared>> -> memref<16xf32, #tpu.memory_space<vmem_shared>>
        %dma_start3A_478 = arith.constant 32768 : i32
        %dma_start3A_479 = tpu.memref_slice %arg11[%dma_start3A_478] : memref<32784xf32, #tpu.memory_space<vmem_shared>> -> memref<16xf32, #tpu.memory_space<vmem_shared>>
        %dma_start3A_480 = arith.constant 0 : i32
        %dma_start3A_481 = tpu.memref_slice %arg10[%dma_start3A_480] : memref<2048xf32, #tpu.memory_space<vmem>> -> memref<16xf32, #tpu.memory_space<vmem>>
        tpu.enqueue_dma source(%dma_start3A_481 : memref<16xf32, #tpu.memory_space<vmem>>) target(%dma_start3A_479 : memref<16xf32, #tpu.memory_space<vmem_shared>>) target_semaphore(%run_scoped3A : memref<!tpu.dma_semaphore, #tpu.memory_space<semaphore_mem>>)
        %dma_wait3A = arith.constant 0 : i32
        %dma_wait3A_482 = tpu.memref_slice %arg10[%dma_wait3A] : memref<2048xf32, #tpu.memory_space<vmem>> -> memref<16xf32, #tpu.memory_space<vmem>>
        %dma_wait3A_483 = arith.constant 32768 : i32
        %dma_wait3A_484 = tpu.memref_slice %arg11[%dma_wait3A_483] : memref<32784xf32, #tpu.memory_space<vmem_shared>> -> memref<16xf32, #tpu.memory_space<vmem_shared>>
        %dma_wait3A_485 = arith.constant 32768 : i32
        %dma_wait3A_486 = tpu.memref_slice %arg11[%dma_wait3A_485] : memref<32784xf32, #tpu.memory_space<vmem_shared>> -> memref<16xf32, #tpu.memory_space<vmem_shared>>
        %dma_wait3A_487 = arith.constant 0 : i32
        %dma_wait3A_488 = tpu.memref_slice %arg10[%dma_wait3A_487] : memref<2048xf32, #tpu.memory_space<vmem>> -> memref<16xf32, #tpu.memory_space<vmem>>
        tpu.wait_dma2 semaphore(%run_scoped3A : memref<!tpu.dma_semaphore, #tpu.memory_space<semaphore_mem>>) src(%dma_wait3A_488 : memref<16xf32, #tpu.memory_space<vmem>>) dst(%dma_wait3A_486 : memref<16xf32, #tpu.memory_space<vmem_shared>>)
        tpu.yield
      }) : () -> ()
    } else {
    }
    %mul3A_9 = arith.constant 256 : i32
    %mul3A_10 = arith.muli %arg1, %mul3A_9 : i32
    "tpu.region"() ({
      %run_scoped3A = tpu.sem_alloc : memref<!tpu.dma_semaphore, #tpu.memory_space<semaphore_mem>>
      %dma_start3A = tpu.memref_slice %arg2[%mul3A_10] : memref<4096xi32, #tpu.memory_space<hbm>> -> memref<256xi32, #tpu.memory_space<hbm>>
      %dma_start3A_475 = tpu.memref_slice %arg2[%mul3A_10] : memref<4096xi32, #tpu.memory_space<hbm>> -> memref<256xi32, #tpu.memory_space<hbm>>
      tpu.enqueue_dma source(%dma_start3A_475 : memref<256xi32, #tpu.memory_space<hbm>>) target(%arg6 : memref<256xi32, #tpu.memory_space<vmem>>) target_semaphore(%run_scoped3A : memref<!tpu.dma_semaphore, #tpu.memory_space<semaphore_mem>>)
      %dma_wait3A = tpu.memref_slice %arg2[%mul3A_10] : memref<4096xi32, #tpu.memory_space<hbm>> -> memref<256xi32, #tpu.memory_space<hbm>>
      %dma_wait3A_476 = tpu.memref_slice %arg2[%mul3A_10] : memref<4096xi32, #tpu.memory_space<hbm>> -> memref<256xi32, #tpu.memory_space<hbm>>
      tpu.wait_dma2 semaphore(%run_scoped3A : memref<!tpu.dma_semaphore, #tpu.memory_space<semaphore_mem>>) src(%dma_wait3A_476 : memref<256xi32, #tpu.memory_space<hbm>>) dst(%arg6 : memref<256xi32, #tpu.memory_space<vmem>>)
      tpu.yield
    }) : () -> ()
    %mul3A_11 = arith.constant 256 : i32
    %mul3A_12 = arith.muli %arg1, %mul3A_11 : i32
    "tpu.region"() ({
      %run_scoped3A = tpu.sem_alloc : memref<!tpu.dma_semaphore, #tpu.memory_space<semaphore_mem>>
      %dma_start3A = tpu.memref_slice %arg3[%mul3A_12] : memref<4096xi32, #tpu.memory_space<hbm>> -> memref<256xi32, #tpu.memory_space<hbm>>
      %dma_start3A_475 = tpu.memref_slice %arg3[%mul3A_12] : memref<4096xi32, #tpu.memory_space<hbm>> -> memref<256xi32, #tpu.memory_space<hbm>>
      tpu.enqueue_dma source(%dma_start3A_475 : memref<256xi32, #tpu.memory_space<hbm>>) target(%arg7 : memref<256xi32, #tpu.memory_space<vmem>>) target_semaphore(%run_scoped3A : memref<!tpu.dma_semaphore, #tpu.memory_space<semaphore_mem>>)
      %dma_wait3A = tpu.memref_slice %arg3[%mul3A_12] : memref<4096xi32, #tpu.memory_space<hbm>> -> memref<256xi32, #tpu.memory_space<hbm>>
      %dma_wait3A_476 = tpu.memref_slice %arg3[%mul3A_12] : memref<4096xi32, #tpu.memory_space<hbm>> -> memref<256xi32, #tpu.memory_space<hbm>>
      tpu.wait_dma2 semaphore(%run_scoped3A : memref<!tpu.dma_semaphore, #tpu.memory_space<semaphore_mem>>) src(%dma_wait3A_476 : memref<256xi32, #tpu.memory_space<hbm>>) dst(%arg7 : memref<256xi32, #tpu.memory_space<vmem>>)
      tpu.yield
    }) : () -> ()
    %mul3A_13 = arith.constant 256 : i32
    %mul3A_14 = arith.muli %arg1, %mul3A_13 : i32
    "tpu.region"() ({
      %run_scoped3A = tpu.sem_alloc : memref<!tpu.dma_semaphore, #tpu.memory_space<semaphore_mem>>
      %dma_start3A = tpu.memref_slice %arg4[%mul3A_14] : memref<4096xf32, #tpu.memory_space<hbm>> -> memref<256xf32, #tpu.memory_space<hbm>>
      %dma_start3A_475 = tpu.memref_slice %arg4[%mul3A_14] : memref<4096xf32, #tpu.memory_space<hbm>> -> memref<256xf32, #tpu.memory_space<hbm>>
      tpu.enqueue_dma source(%dma_start3A_475 : memref<256xf32, #tpu.memory_space<hbm>>) target(%arg8 : memref<256xf32, #tpu.memory_space<vmem>>) target_semaphore(%run_scoped3A : memref<!tpu.dma_semaphore, #tpu.memory_space<semaphore_mem>>)
      %dma_wait3A = tpu.memref_slice %arg4[%mul3A_14] : memref<4096xf32, #tpu.memory_space<hbm>> -> memref<256xf32, #tpu.memory_space<hbm>>
      %dma_wait3A_476 = tpu.memref_slice %arg4[%mul3A_14] : memref<4096xf32, #tpu.memory_space<hbm>> -> memref<256xf32, #tpu.memory_space<hbm>>
      tpu.wait_dma2 semaphore(%run_scoped3A : memref<!tpu.dma_semaphore, #tpu.memory_space<semaphore_mem>>) src(%dma_wait3A_476 : memref<256xf32, #tpu.memory_space<hbm>>) dst(%arg8 : memref<256xf32, #tpu.memory_space<vmem>>)
      tpu.yield
    }) : () -> ()
    %mul3A_15 = arith.constant 32768 : i32
    %mul3A_16 = arith.muli %arg0, %mul3A_15 : i32
    %get3A = arith.constant 0 : index
    %get3A_17 = tpu.vector_load %arg6[%get3A] {strides = array<i32>} : memref<256xi32, #tpu.memory_space<vmem>>, vector<16xi32>,
    %get3A_18 = vector.shape_cast %get3A_17 : vector<16xi32> to vector<16xi32>
    %get3A_19 = arith.constant 0 : index
    %get3A_20 = tpu.vector_load %arg7[%get3A_19] {strides = array<i32>} : memref<256xi32, #tpu.memory_space<vmem>>, vector<16xi32>,
    %get3A_21 = vector.shape_cast %get3A_20 : vector<16xi32> to vector<16xi32>
    %shift_left3A = arith.constant 7 : i32
    %shift_left3A_22 = vector.broadcast %shift_left3A : i32 to vector<16xi32>
    %shift_left3A_23 = arith.shli %get3A_18, %shift_left3A_22 : vector<16xi32>
    %and3A = arith.constant 127 : i32
    %and3A_24 = vector.broadcast %and3A : i32 to vector<16xi32>
    %and3A_25 = arith.andi %get3A_21, %and3A_24 : vector<16xi32>
    %or3A = arith.ori %shift_left3A_23, %and3A_25 : vector<16xi32>
    %sub3A = vector.broadcast %mul3A_16 : i32 to vector<16xi32>
    %sub3A_26 = arith.subi %or3A, %sub3A : vector<16xi32>
    %ge3A = arith.constant 0 : i32
    %ge3A_27 = vector.broadcast %ge3A : i32 to vector<16xi32>
    %ge3A_28 = arith.cmpi sge, %sub3A_26, %ge3A_27 : vector<16xi32>
    %lt3A = arith.constant 32768 : i32
    %lt3A_29 = vector.broadcast %lt3A : i32 to vector<16xi32>
    %lt3A_30 = arith.cmpi slt, %sub3A_26, %lt3A_29 : vector<16xi32>
    %and3A_31 = arith.andi %ge3A_28, %lt3A_30 : vector<16xi1>
    %jit3A = arith.constant 32768 : i32
    %broadcast_in_dim3A = vector.broadcast %jit3A : i32 to vector<16xi32>
    %select_n3A = arith.select %and3A_31, %sub3A_26, %broadcast_in_dim3A : vector<16xi1>, vector<16xi32>
    %swap3A = arith.constant 0 : index
    %swap3A_32 = tpu.vector_load %arg9[%swap3A] {strides = array<i32>} : memref<256xi32, #tpu.memory_space<vmem>>, vector<16xi32>,
    %swap3A_33 = vector.shape_cast %swap3A_32 : vector<16xi32> to vector<16xi32>
    %swap3A_34 = vector.shape_cast %select_n3A : vector<16xi32> to vector<16xi32>
    tpu.vector_store %arg9[%swap3A], %swap3A_34 {strides = array<i32>} : memref<256xi32, #tpu.memory_space<vmem>>, vector<16xi32>,
    %get3A_35 = arith.constant 16 : index
    %get3A_36 = tpu.vector_load %arg6[%get3A_35] {strides = array<i32>} : memref<256xi32, #tpu.memory_space<vmem>>, vector<16xi32>,
    %get3A_37 = vector.shape_cast %get3A_36 : vector<16xi32> to vector<16xi32>
    %get3A_38 = arith.constant 16 : index
    %get3A_39 = tpu.vector_load %arg7[%get3A_38] {strides = array<i32>} : memref<256xi32, #tpu.memory_space<vmem>>, vector<16xi32>,
    %get3A_40 = vector.shape_cast %get3A_39 : vector<16xi32> to vector<16xi32>
    %shift_left3A_41 = arith.constant 7 : i32
    %shift_left3A_42 = vector.broadcast %shift_left3A_41 : i32 to vector<16xi32>
    %shift_left3A_43 = arith.shli %get3A_37, %shift_left3A_42 : vector<16xi32>
    %and3A_44 = arith.constant 127 : i32
    %and3A_45 = vector.broadcast %and3A_44 : i32 to vector<16xi32>
    %and3A_46 = arith.andi %get3A_40, %and3A_45 : vector<16xi32>
    %or3A_47 = arith.ori %shift_left3A_43, %and3A_46 : vector<16xi32>
    %sub3A_48 = vector.broadcast %mul3A_16 : i32 to vector<16xi32>
    %sub3A_49 = arith.subi %or3A_47, %sub3A_48 : vector<16xi32>
    %ge3A_50 = arith.constant 0 : i32
    %ge3A_51 = vector.broadcast %ge3A_50 : i32 to vector<16xi32>
    %ge3A_52 = arith.cmpi sge, %sub3A_49, %ge3A_51 : vector<16xi32>
    %lt3A_53 = arith.constant 32768 : i32
    %lt3A_54 = vector.broadcast %lt3A_53 : i32 to vector<16xi32>
    %lt3A_55 = arith.cmpi slt, %sub3A_49, %lt3A_54 : vector<16xi32>
    %and3A_56 = arith.andi %ge3A_52, %lt3A_55 : vector<16xi1>
    %jit3A_57 = arith.constant 32768 : i32
    %broadcast_in_dim3A_58 = vector.broadcast %jit3A_57 : i32 to vector<16xi32>
    %select_n3A_59 = arith.select %and3A_56, %sub3A_49, %broadcast_in_dim3A_58 : vector<16xi1>, vector<16xi32>
    %swap3A_60 = arith.constant 16 : index
    %swap3A_61 = tpu.vector_load %arg9[%swap3A_60] {strides = array<i32>} : memref<256xi32, #tpu.memory_space<vmem>>, vector<16xi32>,
    %swap3A_62 = vector.shape_cast %swap3A_61 : vector<16xi32> to vector<16xi32>
    %swap3A_63 = vector.shape_cast %select_n3A_59 : vector<16xi32> to vector<16xi32>
    tpu.vector_store %arg9[%swap3A_60], %swap3A_63 {strides = array<i32>} : memref<256xi32, #tpu.memory_space<vmem>>, vector<16xi32>,
    %get3A_64 = arith.constant 32 : index
    %get3A_65 = tpu.vector_load %arg6[%get3A_64] {strides = array<i32>} : memref<256xi32, #tpu.memory_space<vmem>>, vector<16xi32>,
    %get3A_66 = vector.shape_cast %get3A_65 : vector<16xi32> to vector<16xi32>
    %get3A_67 = arith.constant 32 : index
    %get3A_68 = tpu.vector_load %arg7[%get3A_67] {strides = array<i32>} : memref<256xi32, #tpu.memory_space<vmem>>, vector<16xi32>,
    %get3A_69 = vector.shape_cast %get3A_68 : vector<16xi32> to vector<16xi32>
    %shift_left3A_70 = arith.constant 7 : i32
    %shift_left3A_71 = vector.broadcast %shift_left3A_70 : i32 to vector<16xi32>
    %shift_left3A_72 = arith.shli %get3A_66, %shift_left3A_71 : vector<16xi32>
    %and3A_73 = arith.constant 127 : i32
    %and3A_74 = vector.broadcast %and3A_73 : i32 to vector<16xi32>
    %and3A_75 = arith.andi %get3A_69, %and3A_74 : vector<16xi32>
    %or3A_76 = arith.ori %shift_left3A_72, %and3A_75 : vector<16xi32>
    %sub3A_77 = vector.broadcast %mul3A_16 : i32 to vector<16xi32>
    %sub3A_78 = arith.subi %or3A_76, %sub3A_77 : vector<16xi32>
    %ge3A_79 = arith.constant 0 : i32
    %ge3A_80 = vector.broadcast %ge3A_79 : i32 to vector<16xi32>
    %ge3A_81 = arith.cmpi sge, %sub3A_78, %ge3A_80 : vector<16xi32>
    %lt3A_82 = arith.constant 32768 : i32
    %lt3A_83 = vector.broadcast %lt3A_82 : i32 to vector<16xi32>
    %lt3A_84 = arith.cmpi slt, %sub3A_78, %lt3A_83 : vector<16xi32>
    %and3A_85 = arith.andi %ge3A_81, %lt3A_84 : vector<16xi1>
    %jit3A_86 = arith.constant 32768 : i32
    %broadcast_in_dim3A_87 = vector.broadcast %jit3A_86 : i32 to vector<16xi32>
    %select_n3A_88 = arith.select %and3A_85, %sub3A_78, %broadcast_in_dim3A_87 : vector<16xi1>, vector<16xi32>
    %swap3A_89 = arith.constant 32 : index
    %swap3A_90 = tpu.vector_load %arg9[%swap3A_89] {strides = array<i32>} : memref<256xi32, #tpu.memory_space<vmem>>, vector<16xi32>,
    %swap3A_91 = vector.shape_cast %swap3A_90 : vector<16xi32> to vector<16xi32>
    %swap3A_92 = vector.shape_cast %select_n3A_88 : vector<16xi32> to vector<16xi32>
    tpu.vector_store %arg9[%swap3A_89], %swap3A_92 {strides = array<i32>} : memref<256xi32, #tpu.memory_space<vmem>>, vector<16xi32>,
    %get3A_93 = arith.constant 48 : index
    %get3A_94 = tpu.vector_load %arg6[%get3A_93] {strides = array<i32>} : memref<256xi32, #tpu.memory_space<vmem>>, vector<16xi32>,
    %get3A_95 = vector.shape_cast %get3A_94 : vector<16xi32> to vector<16xi32>
    %get3A_96 = arith.constant 48 : index
    %get3A_97 = tpu.vector_load %arg7[%get3A_96] {strides = array<i32>} : memref<256xi32, #tpu.memory_space<vmem>>, vector<16xi32>,
    %get3A_98 = vector.shape_cast %get3A_97 : vector<16xi32> to vector<16xi32>
    %shift_left3A_99 = arith.constant 7 : i32
    %shift_left3A_100 = vector.broadcast %shift_left3A_99 : i32 to vector<16xi32>
    %shift_left3A_101 = arith.shli %get3A_95, %shift_left3A_100 : vector<16xi32>
    %and3A_102 = arith.constant 127 : i32
    %and3A_103 = vector.broadcast %and3A_102 : i32 to vector<16xi32>
    %and3A_104 = arith.andi %get3A_98, %and3A_103 : vector<16xi32>
    %or3A_105 = arith.ori %shift_left3A_101, %and3A_104 : vector<16xi32>
    %sub3A_106 = vector.broadcast %mul3A_16 : i32 to vector<16xi32>
    %sub3A_107 = arith.subi %or3A_105, %sub3A_106 : vector<16xi32>
    %ge3A_108 = arith.constant 0 : i32
    %ge3A_109 = vector.broadcast %ge3A_108 : i32 to vector<16xi32>
    %ge3A_110 = arith.cmpi sge, %sub3A_107, %ge3A_109 : vector<16xi32>
    %lt3A_111 = arith.constant 32768 : i32
    %lt3A_112 = vector.broadcast %lt3A_111 : i32 to vector<16xi32>
    %lt3A_113 = arith.cmpi slt, %sub3A_107, %lt3A_112 : vector<16xi32>
    %and3A_114 = arith.andi %ge3A_110, %lt3A_113 : vector<16xi1>
    %jit3A_115 = arith.constant 32768 : i32
    %broadcast_in_dim3A_116 = vector.broadcast %jit3A_115 : i32 to vector<16xi32>
    %select_n3A_117 = arith.select %and3A_114, %sub3A_107, %broadcast_in_dim3A_116 : vector<16xi1>, vector<16xi32>
    %swap3A_118 = arith.constant 48 : index
    %swap3A_119 = tpu.vector_load %arg9[%swap3A_118] {strides = array<i32>} : memref<256xi32, #tpu.memory_space<vmem>>, vector<16xi32>,
    %swap3A_120 = vector.shape_cast %swap3A_119 : vector<16xi32> to vector<16xi32>
    %swap3A_121 = vector.shape_cast %select_n3A_117 : vector<16xi32> to vector<16xi32>
    tpu.vector_store %arg9[%swap3A_118], %swap3A_121 {strides = array<i32>} : memref<256xi32, #tpu.memory_space<vmem>>, vector<16xi32>,
    %get3A_122 = arith.constant 64 : index
    %get3A_123 = tpu.vector_load %arg6[%get3A_122] {strides = array<i32>} : memref<256xi32, #tpu.memory_space<vmem>>, vector<16xi32>,
    %get3A_124 = vector.shape_cast %get3A_123 : vector<16xi32> to vector<16xi32>
    %get3A_125 = arith.constant 64 : index
    %get3A_126 = tpu.vector_load %arg7[%get3A_125] {strides = array<i32>} : memref<256xi32, #tpu.memory_space<vmem>>, vector<16xi32>,
    %get3A_127 = vector.shape_cast %get3A_126 : vector<16xi32> to vector<16xi32>
    %shift_left3A_128 = arith.constant 7 : i32
    %shift_left3A_129 = vector.broadcast %shift_left3A_128 : i32 to vector<16xi32>
    %shift_left3A_130 = arith.shli %get3A_124, %shift_left3A_129 : vector<16xi32>
    %and3A_131 = arith.constant 127 : i32
    %and3A_132 = vector.broadcast %and3A_131 : i32 to vector<16xi32>
    %and3A_133 = arith.andi %get3A_127, %and3A_132 : vector<16xi32>
    %or3A_134 = arith.ori %shift_left3A_130, %and3A_133 : vector<16xi32>
    %sub3A_135 = vector.broadcast %mul3A_16 : i32 to vector<16xi32>
    %sub3A_136 = arith.subi %or3A_134, %sub3A_135 : vector<16xi32>
    %ge3A_137 = arith.constant 0 : i32
    %ge3A_138 = vector.broadcast %ge3A_137 : i32 to vector<16xi32>
    %ge3A_139 = arith.cmpi sge, %sub3A_136, %ge3A_138 : vector<16xi32>
    %lt3A_140 = arith.constant 32768 : i32
    %lt3A_141 = vector.broadcast %lt3A_140 : i32 to vector<16xi32>
    %lt3A_142 = arith.cmpi slt, %sub3A_136, %lt3A_141 : vector<16xi32>
    %and3A_143 = arith.andi %ge3A_139, %lt3A_142 : vector<16xi1>
    %jit3A_144 = arith.constant 32768 : i32
    %broadcast_in_dim3A_145 = vector.broadcast %jit3A_144 : i32 to vector<16xi32>
    %select_n3A_146 = arith.select %and3A_143, %sub3A_136, %broadcast_in_dim3A_145 : vector<16xi1>, vector<16xi32>
    %swap3A_147 = arith.constant 64 : index
    %swap3A_148 = tpu.vector_load %arg9[%swap3A_147] {strides = array<i32>} : memref<256xi32, #tpu.memory_space<vmem>>, vector<16xi32>,
    %swap3A_149 = vector.shape_cast %swap3A_148 : vector<16xi32> to vector<16xi32>
    %swap3A_150 = vector.shape_cast %select_n3A_146 : vector<16xi32> to vector<16xi32>
    tpu.vector_store %arg9[%swap3A_147], %swap3A_150 {strides = array<i32>} : memref<256xi32, #tpu.memory_space<vmem>>, vector<16xi32>,
    %get3A_151 = arith.constant 80 : index
    %get3A_152 = tpu.vector_load %arg6[%get3A_151] {strides = array<i32>} : memref<256xi32, #tpu.memory_space<vmem>>, vector<16xi32>,
    %get3A_153 = vector.shape_cast %get3A_152 : vector<16xi32> to vector<16xi32>
    %get3A_154 = arith.constant 80 : index
    %get3A_155 = tpu.vector_load %arg7[%get3A_154] {strides = array<i32>} : memref<256xi32, #tpu.memory_space<vmem>>, vector<16xi32>,
    %get3A_156 = vector.shape_cast %get3A_155 : vector<16xi32> to vector<16xi32>
    %shift_left3A_157 = arith.constant 7 : i32
    %shift_left3A_158 = vector.broadcast %shift_left3A_157 : i32 to vector<16xi32>
    %shift_left3A_159 = arith.shli %get3A_153, %shift_left3A_158 : vector<16xi32>
    %and3A_160 = arith.constant 127 : i32
    %and3A_161 = vector.broadcast %and3A_160 : i32 to vector<16xi32>
    %and3A_162 = arith.andi %get3A_156, %and3A_161 : vector<16xi32>
    %or3A_163 = arith.ori %shift_left3A_159, %and3A_162 : vector<16xi32>
    %sub3A_164 = vector.broadcast %mul3A_16 : i32 to vector<16xi32>
    %sub3A_165 = arith.subi %or3A_163, %sub3A_164 : vector<16xi32>
    %ge3A_166 = arith.constant 0 : i32
    %ge3A_167 = vector.broadcast %ge3A_166 : i32 to vector<16xi32>
    %ge3A_168 = arith.cmpi sge, %sub3A_165, %ge3A_167 : vector<16xi32>
    %lt3A_169 = arith.constant 32768 : i32
    %lt3A_170 = vector.broadcast %lt3A_169 : i32 to vector<16xi32>
    %lt3A_171 = arith.cmpi slt, %sub3A_165, %lt3A_170 : vector<16xi32>
    %and3A_172 = arith.andi %ge3A_168, %lt3A_171 : vector<16xi1>
    %jit3A_173 = arith.constant 32768 : i32
    %broadcast_in_dim3A_174 = vector.broadcast %jit3A_173 : i32 to vector<16xi32>
    %select_n3A_175 = arith.select %and3A_172, %sub3A_165, %broadcast_in_dim3A_174 : vector<16xi1>, vector<16xi32>
    %swap3A_176 = arith.constant 80 : index
    %swap3A_177 = tpu.vector_load %arg9[%swap3A_176] {strides = array<i32>} : memref<256xi32, #tpu.memory_space<vmem>>, vector<16xi32>,
    %swap3A_178 = vector.shape_cast %swap3A_177 : vector<16xi32> to vector<16xi32>
    %swap3A_179 = vector.shape_cast %select_n3A_175 : vector<16xi32> to vector<16xi32>
    tpu.vector_store %arg9[%swap3A_176], %swap3A_179 {strides = array<i32>} : memref<256xi32, #tpu.memory_space<vmem>>, vector<16xi32>,
    %get3A_180 = arith.constant 96 : index
    %get3A_181 = tpu.vector_load %arg6[%get3A_180] {strides = array<i32>} : memref<256xi32, #tpu.memory_space<vmem>>, vector<16xi32>,
    %get3A_182 = vector.shape_cast %get3A_181 : vector<16xi32> to vector<16xi32>
    %get3A_183 = arith.constant 96 : index
    %get3A_184 = tpu.vector_load %arg7[%get3A_183] {strides = array<i32>} : memref<256xi32, #tpu.memory_space<vmem>>, vector<16xi32>,
    %get3A_185 = vector.shape_cast %get3A_184 : vector<16xi32> to vector<16xi32>
    %shift_left3A_186 = arith.constant 7 : i32
    %shift_left3A_187 = vector.broadcast %shift_left3A_186 : i32 to vector<16xi32>
    %shift_left3A_188 = arith.shli %get3A_182, %shift_left3A_187 : vector<16xi32>
    %and3A_189 = arith.constant 127 : i32
    %and3A_190 = vector.broadcast %and3A_189 : i32 to vector<16xi32>
    %and3A_191 = arith.andi %get3A_185, %and3A_190 : vector<16xi32>
    %or3A_192 = arith.ori %shift_left3A_188, %and3A_191 : vector<16xi32>
    %sub3A_193 = vector.broadcast %mul3A_16 : i32 to vector<16xi32>
    %sub3A_194 = arith.subi %or3A_192, %sub3A_193 : vector<16xi32>
    %ge3A_195 = arith.constant 0 : i32
    %ge3A_196 = vector.broadcast %ge3A_195 : i32 to vector<16xi32>
    %ge3A_197 = arith.cmpi sge, %sub3A_194, %ge3A_196 : vector<16xi32>
    %lt3A_198 = arith.constant 32768 : i32
    %lt3A_199 = vector.broadcast %lt3A_198 : i32 to vector<16xi32>
    %lt3A_200 = arith.cmpi slt, %sub3A_194, %lt3A_199 : vector<16xi32>
    %and3A_201 = arith.andi %ge3A_197, %lt3A_200 : vector<16xi1>
    %jit3A_202 = arith.constant 32768 : i32
    %broadcast_in_dim3A_203 = vector.broadcast %jit3A_202 : i32 to vector<16xi32>
    %select_n3A_204 = arith.select %and3A_201, %sub3A_194, %broadcast_in_dim3A_203 : vector<16xi1>, vector<16xi32>
    %swap3A_205 = arith.constant 96 : index
    %swap3A_206 = tpu.vector_load %arg9[%swap3A_205] {strides = array<i32>} : memref<256xi32, #tpu.memory_space<vmem>>, vector<16xi32>,
    %swap3A_207 = vector.shape_cast %swap3A_206 : vector<16xi32> to vector<16xi32>
    %swap3A_208 = vector.shape_cast %select_n3A_204 : vector<16xi32> to vector<16xi32>
    tpu.vector_store %arg9[%swap3A_205], %swap3A_208 {strides = array<i32>} : memref<256xi32, #tpu.memory_space<vmem>>, vector<16xi32>,
    %get3A_209 = arith.constant 112 : index
    %get3A_210 = tpu.vector_load %arg6[%get3A_209] {strides = array<i32>} : memref<256xi32, #tpu.memory_space<vmem>>, vector<16xi32>,
    %get3A_211 = vector.shape_cast %get3A_210 : vector<16xi32> to vector<16xi32>
    %get3A_212 = arith.constant 112 : index
    %get3A_213 = tpu.vector_load %arg7[%get3A_212] {strides = array<i32>} : memref<256xi32, #tpu.memory_space<vmem>>, vector<16xi32>,
    %get3A_214 = vector.shape_cast %get3A_213 : vector<16xi32> to vector<16xi32>
    %shift_left3A_215 = arith.constant 7 : i32
    %shift_left3A_216 = vector.broadcast %shift_left3A_215 : i32 to vector<16xi32>
    %shift_left3A_217 = arith.shli %get3A_211, %shift_left3A_216 : vector<16xi32>
    %and3A_218 = arith.constant 127 : i32
    %and3A_219 = vector.broadcast %and3A_218 : i32 to vector<16xi32>
    %and3A_220 = arith.andi %get3A_214, %and3A_219 : vector<16xi32>
    %or3A_221 = arith.ori %shift_left3A_217, %and3A_220 : vector<16xi32>
    %sub3A_222 = vector.broadcast %mul3A_16 : i32 to vector<16xi32>
    %sub3A_223 = arith.subi %or3A_221, %sub3A_222 : vector<16xi32>
    %ge3A_224 = arith.constant 0 : i32
    %ge3A_225 = vector.broadcast %ge3A_224 : i32 to vector<16xi32>
    %ge3A_226 = arith.cmpi sge, %sub3A_223, %ge3A_225 : vector<16xi32>
    %lt3A_227 = arith.constant 32768 : i32
    %lt3A_228 = vector.broadcast %lt3A_227 : i32 to vector<16xi32>
    %lt3A_229 = arith.cmpi slt, %sub3A_223, %lt3A_228 : vector<16xi32>
    %and3A_230 = arith.andi %ge3A_226, %lt3A_229 : vector<16xi1>
    %jit3A_231 = arith.constant 32768 : i32
    %broadcast_in_dim3A_232 = vector.broadcast %jit3A_231 : i32 to vector<16xi32>
    %select_n3A_233 = arith.select %and3A_230, %sub3A_223, %broadcast_in_dim3A_232 : vector<16xi1>, vector<16xi32>
    %swap3A_234 = arith.constant 112 : index
    %swap3A_235 = tpu.vector_load %arg9[%swap3A_234] {strides = array<i32>} : memref<256xi32, #tpu.memory_space<vmem>>, vector<16xi32>,
    %swap3A_236 = vector.shape_cast %swap3A_235 : vector<16xi32> to vector<16xi32>
    %swap3A_237 = vector.shape_cast %select_n3A_233 : vector<16xi32> to vector<16xi32>
    tpu.vector_store %arg9[%swap3A_234], %swap3A_237 {strides = array<i32>} : memref<256xi32, #tpu.memory_space<vmem>>, vector<16xi32>,
    %get3A_238 = arith.constant 128 : index
    %get3A_239 = tpu.vector_load %arg6[%get3A_238] {strides = array<i32>} : memref<256xi32, #tpu.memory_space<vmem>>, vector<16xi32>,
    %get3A_240 = vector.shape_cast %get3A_239 : vector<16xi32> to vector<16xi32>
    %get3A_241 = arith.constant 128 : index
    %get3A_242 = tpu.vector_load %arg7[%get3A_241] {strides = array<i32>} : memref<256xi32, #tpu.memory_space<vmem>>, vector<16xi32>,
    %get3A_243 = vector.shape_cast %get3A_242 : vector<16xi32> to vector<16xi32>
    %shift_left3A_244 = arith.constant 7 : i32
    %shift_left3A_245 = vector.broadcast %shift_left3A_244 : i32 to vector<16xi32>
    %shift_left3A_246 = arith.shli %get3A_240, %shift_left3A_245 : vector<16xi32>
    %and3A_247 = arith.constant 127 : i32
    %and3A_248 = vector.broadcast %and3A_247 : i32 to vector<16xi32>
    %and3A_249 = arith.andi %get3A_243, %and3A_248 : vector<16xi32>
    %or3A_250 = arith.ori %shift_left3A_246, %and3A_249 : vector<16xi32>
    %sub3A_251 = vector.broadcast %mul3A_16 : i32 to vector<16xi32>
    %sub3A_252 = arith.subi %or3A_250, %sub3A_251 : vector<16xi32>
    %ge3A_253 = arith.constant 0 : i32
    %ge3A_254 = vector.broadcast %ge3A_253 : i32 to vector<16xi32>
    %ge3A_255 = arith.cmpi sge, %sub3A_252, %ge3A_254 : vector<16xi32>
    %lt3A_256 = arith.constant 32768 : i32
    %lt3A_257 = vector.broadcast %lt3A_256 : i32 to vector<16xi32>
    %lt3A_258 = arith.cmpi slt, %sub3A_252, %lt3A_257 : vector<16xi32>
    %and3A_259 = arith.andi %ge3A_255, %lt3A_258 : vector<16xi1>
    %jit3A_260 = arith.constant 32768 : i32
    %broadcast_in_dim3A_261 = vector.broadcast %jit3A_260 : i32 to vector<16xi32>
    %select_n3A_262 = arith.select %and3A_259, %sub3A_252, %broadcast_in_dim3A_261 : vector<16xi1>, vector<16xi32>
    %swap3A_263 = arith.constant 128 : index
    %swap3A_264 = tpu.vector_load %arg9[%swap3A_263] {strides = array<i32>} : memref<256xi32, #tpu.memory_space<vmem>>, vector<16xi32>,
    %swap3A_265 = vector.shape_cast %swap3A_264 : vector<16xi32> to vector<16xi32>
    %swap3A_266 = vector.shape_cast %select_n3A_262 : vector<16xi32> to vector<16xi32>
    tpu.vector_store %arg9[%swap3A_263], %swap3A_266 {strides = array<i32>} : memref<256xi32, #tpu.memory_space<vmem>>, vector<16xi32>,
    %get3A_267 = arith.constant 144 : index
    %get3A_268 = tpu.vector_load %arg6[%get3A_267] {strides = array<i32>} : memref<256xi32, #tpu.memory_space<vmem>>, vector<16xi32>,
    %get3A_269 = vector.shape_cast %get3A_268 : vector<16xi32> to vector<16xi32>
    %get3A_270 = arith.constant 144 : index
    %get3A_271 = tpu.vector_load %arg7[%get3A_270] {strides = array<i32>} : memref<256xi32, #tpu.memory_space<vmem>>, vector<16xi32>,
    %get3A_272 = vector.shape_cast %get3A_271 : vector<16xi32> to vector<16xi32>
    %shift_left3A_273 = arith.constant 7 : i32
    %shift_left3A_274 = vector.broadcast %shift_left3A_273 : i32 to vector<16xi32>
    %shift_left3A_275 = arith.shli %get3A_269, %shift_left3A_274 : vector<16xi32>
    %and3A_276 = arith.constant 127 : i32
    %and3A_277 = vector.broadcast %and3A_276 : i32 to vector<16xi32>
    %and3A_278 = arith.andi %get3A_272, %and3A_277 : vector<16xi32>
    %or3A_279 = arith.ori %shift_left3A_275, %and3A_278 : vector<16xi32>
    %sub3A_280 = vector.broadcast %mul3A_16 : i32 to vector<16xi32>
    %sub3A_281 = arith.subi %or3A_279, %sub3A_280 : vector<16xi32>
    %ge3A_282 = arith.constant 0 : i32
    %ge3A_283 = vector.broadcast %ge3A_282 : i32 to vector<16xi32>
    %ge3A_284 = arith.cmpi sge, %sub3A_281, %ge3A_283 : vector<16xi32>
    %lt3A_285 = arith.constant 32768 : i32
    %lt3A_286 = vector.broadcast %lt3A_285 : i32 to vector<16xi32>
    %lt3A_287 = arith.cmpi slt, %sub3A_281, %lt3A_286 : vector<16xi32>
    %and3A_288 = arith.andi %ge3A_284, %lt3A_287 : vector<16xi1>
    %jit3A_289 = arith.constant 32768 : i32
    %broadcast_in_dim3A_290 = vector.broadcast %jit3A_289 : i32 to vector<16xi32>
    %select_n3A_291 = arith.select %and3A_288, %sub3A_281, %broadcast_in_dim3A_290 : vector<16xi1>, vector<16xi32>
    %swap3A_292 = arith.constant 144 : index
    %swap3A_293 = tpu.vector_load %arg9[%swap3A_292] {strides = array<i32>} : memref<256xi32, #tpu.memory_space<vmem>>, vector<16xi32>,
    %swap3A_294 = vector.shape_cast %swap3A_293 : vector<16xi32> to vector<16xi32>
    %swap3A_295 = vector.shape_cast %select_n3A_291 : vector<16xi32> to vector<16xi32>
    tpu.vector_store %arg9[%swap3A_292], %swap3A_295 {strides = array<i32>} : memref<256xi32, #tpu.memory_space<vmem>>, vector<16xi32>,
    %get3A_296 = arith.constant 160 : index
    %get3A_297 = tpu.vector_load %arg6[%get3A_296] {strides = array<i32>} : memref<256xi32, #tpu.memory_space<vmem>>, vector<16xi32>,
    %get3A_298 = vector.shape_cast %get3A_297 : vector<16xi32> to vector<16xi32>
    %get3A_299 = arith.constant 160 : index
    %get3A_300 = tpu.vector_load %arg7[%get3A_299] {strides = array<i32>} : memref<256xi32, #tpu.memory_space<vmem>>, vector<16xi32>,
    %get3A_301 = vector.shape_cast %get3A_300 : vector<16xi32> to vector<16xi32>
    %shift_left3A_302 = arith.constant 7 : i32
    %shift_left3A_303 = vector.broadcast %shift_left3A_302 : i32 to vector<16xi32>
    %shift_left3A_304 = arith.shli %get3A_298, %shift_left3A_303 : vector<16xi32>
    %and3A_305 = arith.constant 127 : i32
    %and3A_306 = vector.broadcast %and3A_305 : i32 to vector<16xi32>
    %and3A_307 = arith.andi %get3A_301, %and3A_306 : vector<16xi32>
    %or3A_308 = arith.ori %shift_left3A_304, %and3A_307 : vector<16xi32>
    %sub3A_309 = vector.broadcast %mul3A_16 : i32 to vector<16xi32>
    %sub3A_310 = arith.subi %or3A_308, %sub3A_309 : vector<16xi32>
    %ge3A_311 = arith.constant 0 : i32
    %ge3A_312 = vector.broadcast %ge3A_311 : i32 to vector<16xi32>
    %ge3A_313 = arith.cmpi sge, %sub3A_310, %ge3A_312 : vector<16xi32>
    %lt3A_314 = arith.constant 32768 : i32
    %lt3A_315 = vector.broadcast %lt3A_314 : i32 to vector<16xi32>
    %lt3A_316 = arith.cmpi slt, %sub3A_310, %lt3A_315 : vector<16xi32>
    %and3A_317 = arith.andi %ge3A_313, %lt3A_316 : vector<16xi1>
    %jit3A_318 = arith.constant 32768 : i32
    %broadcast_in_dim3A_319 = vector.broadcast %jit3A_318 : i32 to vector<16xi32>
    %select_n3A_320 = arith.select %and3A_317, %sub3A_310, %broadcast_in_dim3A_319 : vector<16xi1>, vector<16xi32>
    %swap3A_321 = arith.constant 160 : index
    %swap3A_322 = tpu.vector_load %arg9[%swap3A_321] {strides = array<i32>} : memref<256xi32, #tpu.memory_space<vmem>>, vector<16xi32>,
    %swap3A_323 = vector.shape_cast %swap3A_322 : vector<16xi32> to vector<16xi32>
    %swap3A_324 = vector.shape_cast %select_n3A_320 : vector<16xi32> to vector<16xi32>
    tpu.vector_store %arg9[%swap3A_321], %swap3A_324 {strides = array<i32>} : memref<256xi32, #tpu.memory_space<vmem>>, vector<16xi32>,
    %get3A_325 = arith.constant 176 : index
    %get3A_326 = tpu.vector_load %arg6[%get3A_325] {strides = array<i32>} : memref<256xi32, #tpu.memory_space<vmem>>, vector<16xi32>,
    %get3A_327 = vector.shape_cast %get3A_326 : vector<16xi32> to vector<16xi32>
    %get3A_328 = arith.constant 176 : index
    %get3A_329 = tpu.vector_load %arg7[%get3A_328] {strides = array<i32>} : memref<256xi32, #tpu.memory_space<vmem>>, vector<16xi32>,
    %get3A_330 = vector.shape_cast %get3A_329 : vector<16xi32> to vector<16xi32>
    %shift_left3A_331 = arith.constant 7 : i32
    %shift_left3A_332 = vector.broadcast %shift_left3A_331 : i32 to vector<16xi32>
    %shift_left3A_333 = arith.shli %get3A_327, %shift_left3A_332 : vector<16xi32>
    %and3A_334 = arith.constant 127 : i32
    %and3A_335 = vector.broadcast %and3A_334 : i32 to vector<16xi32>
    %and3A_336 = arith.andi %get3A_330, %and3A_335 : vector<16xi32>
    %or3A_337 = arith.ori %shift_left3A_333, %and3A_336 : vector<16xi32>
    %sub3A_338 = vector.broadcast %mul3A_16 : i32 to vector<16xi32>
    %sub3A_339 = arith.subi %or3A_337, %sub3A_338 : vector<16xi32>
    %ge3A_340 = arith.constant 0 : i32
    %ge3A_341 = vector.broadcast %ge3A_340 : i32 to vector<16xi32>
    %ge3A_342 = arith.cmpi sge, %sub3A_339, %ge3A_341 : vector<16xi32>
    %lt3A_343 = arith.constant 32768 : i32
    %lt3A_344 = vector.broadcast %lt3A_343 : i32 to vector<16xi32>
    %lt3A_345 = arith.cmpi slt, %sub3A_339, %lt3A_344 : vector<16xi32>
    %and3A_346 = arith.andi %ge3A_342, %lt3A_345 : vector<16xi1>
    %jit3A_347 = arith.constant 32768 : i32
    %broadcast_in_dim3A_348 = vector.broadcast %jit3A_347 : i32 to vector<16xi32>
    %select_n3A_349 = arith.select %and3A_346, %sub3A_339, %broadcast_in_dim3A_348 : vector<16xi1>, vector<16xi32>
    %swap3A_350 = arith.constant 176 : index
    %swap3A_351 = tpu.vector_load %arg9[%swap3A_350] {strides = array<i32>} : memref<256xi32, #tpu.memory_space<vmem>>, vector<16xi32>,
    %swap3A_352 = vector.shape_cast %swap3A_351 : vector<16xi32> to vector<16xi32>
    %swap3A_353 = vector.shape_cast %select_n3A_349 : vector<16xi32> to vector<16xi32>
    tpu.vector_store %arg9[%swap3A_350], %swap3A_353 {strides = array<i32>} : memref<256xi32, #tpu.memory_space<vmem>>, vector<16xi32>,
    %get3A_354 = arith.constant 192 : index
    %get3A_355 = tpu.vector_load %arg6[%get3A_354] {strides = array<i32>} : memref<256xi32, #tpu.memory_space<vmem>>, vector<16xi32>,
    %get3A_356 = vector.shape_cast %get3A_355 : vector<16xi32> to vector<16xi32>
    %get3A_357 = arith.constant 192 : index
    %get3A_358 = tpu.vector_load %arg7[%get3A_357] {strides = array<i32>} : memref<256xi32, #tpu.memory_space<vmem>>, vector<16xi32>,
    %get3A_359 = vector.shape_cast %get3A_358 : vector<16xi32> to vector<16xi32>
    %shift_left3A_360 = arith.constant 7 : i32
    %shift_left3A_361 = vector.broadcast %shift_left3A_360 : i32 to vector<16xi32>
    %shift_left3A_362 = arith.shli %get3A_356, %shift_left3A_361 : vector<16xi32>
    %and3A_363 = arith.constant 127 : i32
    %and3A_364 = vector.broadcast %and3A_363 : i32 to vector<16xi32>
    %and3A_365 = arith.andi %get3A_359, %and3A_364 : vector<16xi32>
    %or3A_366 = arith.ori %shift_left3A_362, %and3A_365 : vector<16xi32>
    %sub3A_367 = vector.broadcast %mul3A_16 : i32 to vector<16xi32>
    %sub3A_368 = arith.subi %or3A_366, %sub3A_367 : vector<16xi32>
    %ge3A_369 = arith.constant 0 : i32
    %ge3A_370 = vector.broadcast %ge3A_369 : i32 to vector<16xi32>
    %ge3A_371 = arith.cmpi sge, %sub3A_368, %ge3A_370 : vector<16xi32>
    %lt3A_372 = arith.constant 32768 : i32
    %lt3A_373 = vector.broadcast %lt3A_372 : i32 to vector<16xi32>
    %lt3A_374 = arith.cmpi slt, %sub3A_368, %lt3A_373 : vector<16xi32>
    %and3A_375 = arith.andi %ge3A_371, %lt3A_374 : vector<16xi1>
    %jit3A_376 = arith.constant 32768 : i32
    %broadcast_in_dim3A_377 = vector.broadcast %jit3A_376 : i32 to vector<16xi32>
    %select_n3A_378 = arith.select %and3A_375, %sub3A_368, %broadcast_in_dim3A_377 : vector<16xi1>, vector<16xi32>
    %swap3A_379 = arith.constant 192 : index
    %swap3A_380 = tpu.vector_load %arg9[%swap3A_379] {strides = array<i32>} : memref<256xi32, #tpu.memory_space<vmem>>, vector<16xi32>,
    %swap3A_381 = vector.shape_cast %swap3A_380 : vector<16xi32> to vector<16xi32>
    %swap3A_382 = vector.shape_cast %select_n3A_378 : vector<16xi32> to vector<16xi32>
    tpu.vector_store %arg9[%swap3A_379], %swap3A_382 {strides = array<i32>} : memref<256xi32, #tpu.memory_space<vmem>>, vector<16xi32>,
    %get3A_383 = arith.constant 208 : index
    %get3A_384 = tpu.vector_load %arg6[%get3A_383] {strides = array<i32>} : memref<256xi32, #tpu.memory_space<vmem>>, vector<16xi32>,
    %get3A_385 = vector.shape_cast %get3A_384 : vector<16xi32> to vector<16xi32>
    %get3A_386 = arith.constant 208 : index
    %get3A_387 = tpu.vector_load %arg7[%get3A_386] {strides = array<i32>} : memref<256xi32, #tpu.memory_space<vmem>>, vector<16xi32>,
    %get3A_388 = vector.shape_cast %get3A_387 : vector<16xi32> to vector<16xi32>
    %shift_left3A_389 = arith.constant 7 : i32
    %shift_left3A_390 = vector.broadcast %shift_left3A_389 : i32 to vector<16xi32>
    %shift_left3A_391 = arith.shli %get3A_385, %shift_left3A_390 : vector<16xi32>
    %and3A_392 = arith.constant 127 : i32
    %and3A_393 = vector.broadcast %and3A_392 : i32 to vector<16xi32>
    %and3A_394 = arith.andi %get3A_388, %and3A_393 : vector<16xi32>
    %or3A_395 = arith.ori %shift_left3A_391, %and3A_394 : vector<16xi32>
    %sub3A_396 = vector.broadcast %mul3A_16 : i32 to vector<16xi32>
    %sub3A_397 = arith.subi %or3A_395, %sub3A_396 : vector<16xi32>
    %ge3A_398 = arith.constant 0 : i32
    %ge3A_399 = vector.broadcast %ge3A_398 : i32 to vector<16xi32>
    %ge3A_400 = arith.cmpi sge, %sub3A_397, %ge3A_399 : vector<16xi32>
    %lt3A_401 = arith.constant 32768 : i32
    %lt3A_402 = vector.broadcast %lt3A_401 : i32 to vector<16xi32>
    %lt3A_403 = arith.cmpi slt, %sub3A_397, %lt3A_402 : vector<16xi32>
    %and3A_404 = arith.andi %ge3A_400, %lt3A_403 : vector<16xi1>
    %jit3A_405 = arith.constant 32768 : i32
    %broadcast_in_dim3A_406 = vector.broadcast %jit3A_405 : i32 to vector<16xi32>
    %select_n3A_407 = arith.select %and3A_404, %sub3A_397, %broadcast_in_dim3A_406 : vector<16xi1>, vector<16xi32>
    %swap3A_408 = arith.constant 208 : index
    %swap3A_409 = tpu.vector_load %arg9[%swap3A_408] {strides = array<i32>} : memref<256xi32, #tpu.memory_space<vmem>>, vector<16xi32>,
    %swap3A_410 = vector.shape_cast %swap3A_409 : vector<16xi32> to vector<16xi32>
    %swap3A_411 = vector.shape_cast %select_n3A_407 : vector<16xi32> to vector<16xi32>
    tpu.vector_store %arg9[%swap3A_408], %swap3A_411 {strides = array<i32>} : memref<256xi32, #tpu.memory_space<vmem>>, vector<16xi32>,
    %get3A_412 = arith.constant 224 : index
    %get3A_413 = tpu.vector_load %arg6[%get3A_412] {strides = array<i32>} : memref<256xi32, #tpu.memory_space<vmem>>, vector<16xi32>,
    %get3A_414 = vector.shape_cast %get3A_413 : vector<16xi32> to vector<16xi32>
    %get3A_415 = arith.constant 224 : index
    %get3A_416 = tpu.vector_load %arg7[%get3A_415] {strides = array<i32>} : memref<256xi32, #tpu.memory_space<vmem>>, vector<16xi32>,
    %get3A_417 = vector.shape_cast %get3A_416 : vector<16xi32> to vector<16xi32>
    %shift_left3A_418 = arith.constant 7 : i32
    %shift_left3A_419 = vector.broadcast %shift_left3A_418 : i32 to vector<16xi32>
    %shift_left3A_420 = arith.shli %get3A_414, %shift_left3A_419 : vector<16xi32>
    %and3A_421 = arith.constant 127 : i32
    %and3A_422 = vector.broadcast %and3A_421 : i32 to vector<16xi32>
    %and3A_423 = arith.andi %get3A_417, %and3A_422 : vector<16xi32>
    %or3A_424 = arith.ori %shift_left3A_420, %and3A_423 : vector<16xi32>
    %sub3A_425 = vector.broadcast %mul3A_16 : i32 to vector<16xi32>
    %sub3A_426 = arith.subi %or3A_424, %sub3A_425 : vector<16xi32>
    %ge3A_427 = arith.constant 0 : i32
    %ge3A_428 = vector.broadcast %ge3A_427 : i32 to vector<16xi32>
    %ge3A_429 = arith.cmpi sge, %sub3A_426, %ge3A_428 : vector<16xi32>
    %lt3A_430 = arith.constant 32768 : i32
    %lt3A_431 = vector.broadcast %lt3A_430 : i32 to vector<16xi32>
    %lt3A_432 = arith.cmpi slt, %sub3A_426, %lt3A_431 : vector<16xi32>
    %and3A_433 = arith.andi %ge3A_429, %lt3A_432 : vector<16xi1>
    %jit3A_434 = arith.constant 32768 : i32
    %broadcast_in_dim3A_435 = vector.broadcast %jit3A_434 : i32 to vector<16xi32>
    %select_n3A_436 = arith.select %and3A_433, %sub3A_426, %broadcast_in_dim3A_435 : vector<16xi1>, vector<16xi32>
    %swap3A_437 = arith.constant 224 : index
    %swap3A_438 = tpu.vector_load %arg9[%swap3A_437] {strides = array<i32>} : memref<256xi32, #tpu.memory_space<vmem>>, vector<16xi32>,
    %swap3A_439 = vector.shape_cast %swap3A_438 : vector<16xi32> to vector<16xi32>
    %swap3A_440 = vector.shape_cast %select_n3A_436 : vector<16xi32> to vector<16xi32>
    tpu.vector_store %arg9[%swap3A_437], %swap3A_440 {strides = array<i32>} : memref<256xi32, #tpu.memory_space<vmem>>, vector<16xi32>,
    %get3A_441 = arith.constant 240 : index
    %get3A_442 = tpu.vector_load %arg6[%get3A_441] {strides = array<i32>} : memref<256xi32, #tpu.memory_space<vmem>>, vector<16xi32>,
    %get3A_443 = vector.shape_cast %get3A_442 : vector<16xi32> to vector<16xi32>
    %get3A_444 = arith.constant 240 : index
    %get3A_445 = tpu.vector_load %arg7[%get3A_444] {strides = array<i32>} : memref<256xi32, #tpu.memory_space<vmem>>, vector<16xi32>,
    %get3A_446 = vector.shape_cast %get3A_445 : vector<16xi32> to vector<16xi32>
    %shift_left3A_447 = arith.constant 7 : i32
    %shift_left3A_448 = vector.broadcast %shift_left3A_447 : i32 to vector<16xi32>
    %shift_left3A_449 = arith.shli %get3A_443, %shift_left3A_448 : vector<16xi32>
    %and3A_450 = arith.constant 127 : i32
    %and3A_451 = vector.broadcast %and3A_450 : i32 to vector<16xi32>
    %and3A_452 = arith.andi %get3A_446, %and3A_451 : vector<16xi32>
    %or3A_453 = arith.ori %shift_left3A_449, %and3A_452 : vector<16xi32>
    %sub3A_454 = vector.broadcast %mul3A_16 : i32 to vector<16xi32>
    %sub3A_455 = arith.subi %or3A_453, %sub3A_454 : vector<16xi32>
    %ge3A_456 = arith.constant 0 : i32
    %ge3A_457 = vector.broadcast %ge3A_456 : i32 to vector<16xi32>
    %ge3A_458 = arith.cmpi sge, %sub3A_455, %ge3A_457 : vector<16xi32>
    %lt3A_459 = arith.constant 32768 : i32
    %lt3A_460 = vector.broadcast %lt3A_459 : i32 to vector<16xi32>
    %lt3A_461 = arith.cmpi slt, %sub3A_455, %lt3A_460 : vector<16xi32>
    %and3A_462 = arith.andi %ge3A_458, %lt3A_461 : vector<16xi1>
    %jit3A_463 = arith.constant 32768 : i32
    %broadcast_in_dim3A_464 = vector.broadcast %jit3A_463 : i32 to vector<16xi32>
    %select_n3A_465 = arith.select %and3A_462, %sub3A_455, %broadcast_in_dim3A_464 : vector<16xi1>, vector<16xi32>
    %swap3A_466 = arith.constant 240 : index
    %swap3A_467 = tpu.vector_load %arg9[%swap3A_466] {strides = array<i32>} : memref<256xi32, #tpu.memory_space<vmem>>, vector<16xi32>,
    %swap3A_468 = vector.shape_cast %swap3A_467 : vector<16xi32> to vector<16xi32>
    %swap3A_469 = vector.shape_cast %select_n3A_465 : vector<16xi32> to vector<16xi32>
    tpu.vector_store %arg9[%swap3A_466], %swap3A_469 {strides = array<i32>} : memref<256xi32, #tpu.memory_space<vmem>>, vector<16xi32>,
    %barrier3A = arith.constant 0 : index
    tpu.barrier barrier_id(%barrier3A)
    "tpu.region"() ({
      %run_scoped3A = tpu.sem_alloc : memref<!tpu.dma_semaphore, #tpu.memory_space<semaphore_mem>>
      %dma_start3A = arith.constant 0 : i32
      %dma_start3A_475 = tpu.memref_slice %arg11[%dma_start3A] : memref<32784xf32, #tpu.memory_space<vmem_shared>> -> memref<32784xf32, #tpu.memory_space<vmem_shared>>
      tpu.enqueue_indirect_dma source(%arg8 : memref<256xf32, #tpu.memory_space<vmem>>) target(%dma_start3A_475 : memref<32784xf32, #tpu.memory_space<vmem_shared>>) offsets(%arg9 : memref<256xi32, #tpu.memory_space<vmem>>) semaphore(%run_scoped3A : memref<!tpu.dma_semaphore, #tpu.memory_space<semaphore_mem>>) {add = true}
      %dma_wait3A = arith.constant 0 : i32
      %dma_wait3A_476 = tpu.memref_slice %arg11[%dma_wait3A] : memref<32784xf32, #tpu.memory_space<vmem_shared>> -> memref<32784xf32, #tpu.memory_space<vmem_shared>>
      tpu.wait_indirect_dma semaphore(%run_scoped3A : memref<!tpu.dma_semaphore, #tpu.memory_space<semaphore_mem>>) src(%arg8 : memref<256xf32, #tpu.memory_space<vmem>>) dst(%dma_wait3A_476 : memref<32784xf32, #tpu.memory_space<vmem_shared>>)
      tpu.yield
    }) : () -> ()
    %barrier3A_470 = arith.constant 0 : index
    tpu.barrier barrier_id(%barrier3A_470)
    %mul3A_471 = arith.constant 2048 : i32
    %mul3A_472 = arith.muli %arg1, %mul3A_471 : i32
    %mul3A_473 = arith.constant 2048 : i32
    %mul3A_474 = arith.muli %arg1, %mul3A_473 : i32
    %add3A = arith.addi %mul3A_16, %mul3A_474 : i32
    "tpu.region"() ({
      %run_scoped3A = tpu.sem_alloc : memref<!tpu.dma_semaphore, #tpu.memory_space<semaphore_mem>>
      %dma_start3A = tpu.memref_slice %arg5[%add3A] : memref<65536xf32, #tpu.memory_space<hbm>> -> memref<2048xf32, #tpu.memory_space<hbm>>
      %dma_start3A_475 = tpu.memref_slice %arg11[%mul3A_472] : memref<32784xf32, #tpu.memory_space<vmem_shared>> -> memref<2048xf32, #tpu.memory_space<vmem_shared>>
      tpu.enqueue_dma source(%dma_start3A_475 : memref<2048xf32, #tpu.memory_space<vmem_shared>>) target(%dma_start3A : memref<2048xf32, #tpu.memory_space<hbm>>) target_semaphore(%run_scoped3A : memref<!tpu.dma_semaphore, #tpu.memory_space<semaphore_mem>>)
      %dma_wait3A = tpu.memref_slice %arg5[%add3A] : memref<65536xf32, #tpu.memory_space<hbm>> -> memref<2048xf32, #tpu.memory_space<hbm>>
      %dma_wait3A_476 = tpu.memref_slice %arg11[%mul3A_472] : memref<32784xf32, #tpu.memory_space<vmem_shared>> -> memref<2048xf32, #tpu.memory_space<vmem_shared>>
      tpu.wait_dma2 semaphore(%run_scoped3A : memref<!tpu.dma_semaphore, #tpu.memory_space<semaphore_mem>>) src(%dma_wait3A_476 : memref<2048xf32, #tpu.memory_space<vmem_shared>>) dst(%dma_wait3A : memref<2048xf32, #tpu.memory_space<hbm>>)
      tpu.yield
    }) : () -> ()
    return
  }
}

module attributes {stable_mosaic.version = 14 : i64} {
  func.func @_attn_kernel(%arg0: i32, %arg1: memref<1x64x128x128xf32, #tpu.memory_space<vmem>>, %arg2: memref<128x128xf32, #tpu.memory_space<vmem>>, %arg3: memref<1x128xf32, #tpu.memory_space<vmem>>, %arg4: memref<128x128xf32, #tpu.memory_space<vmem>>, %arg5: memref<1x128xf32, #tpu.memory_space<vmem>>, %arg6: memref<1x64x128x128xf32, #tpu.memory_space<vmem>>, %arg7: memref<64x128x128xf32, #tpu.memory_space<vmem>>, %arg8: memref<64x128x128xf32, #tpu.memory_space<vmem>>) attributes {dimension_semantics = [#tpu.dimension_semantics<arbitrary>], iteration_bounds = array<i64: 4>, scalar_prefetch = 0 : i64, scratch_operands = 2 : i64, tpu.core_type = #tpu.core_type<tc>, window_params = [{transform_indices = @transform_0, window_bounds = array<i64: 1, 64, 128, 128>}, {pipeline_mode = #tpu.pipeline_mode<synchronous>, transform_indices = @transform_1, window_bounds = array<i64: 128, 128>}, {pipeline_mode = #tpu.pipeline_mode<synchronous>, transform_indices = @transform_2, window_bounds = array<i64: 1, 128>}, {pipeline_mode = #tpu.pipeline_mode<synchronous>, transform_indices = @transform_3, window_bounds = array<i64: 128, 128>}, {pipeline_mode = #tpu.pipeline_mode<synchronous>, transform_indices = @transform_4, window_bounds = array<i64: 1, 128>}, {transform_indices = @transform_5, window_bounds = array<i64: 1, 64, 128, 128>}]} {
    %get3A = arith.constant 0 : index
    %get3A_0 = arith.constant 0 : index
    %get3A_1 = arith.constant 0 : index
    %get3A_2 = arith.constant 0 : index
    %get3A_3 = vector.load %arg1[%get3A, %get3A_0, %get3A_1, %get3A_2] : memref<1x64x128x128xf32, #tpu.memory_space<vmem>>, vector<1x64x128x128xf32>
    %get3A_4 = vector.shape_cast %get3A_3 : vector<1x64x128x128xf32> to vector<64x128x128xf32>
    %reshape3A = vector.shape_cast %get3A_4 : vector<64x128x128xf32> to vector<8192x128xf32>
    %get3A_5 = arith.constant 0 : index
    %get3A_6 = arith.constant 0 : index
    %get3A_7 = vector.load %arg2[%get3A_5, %get3A_6] : memref<128x128xf32, #tpu.memory_space<vmem>>, vector<128x128xf32>
    %dot_general3A = arith.constant dense<0.000000e+00> : vector<8192x128xf32>
    %dot_general3A_8 = tpu.matmul %reshape3A, %get3A_7, %dot_general3A {dimension_numbers = #tpu.dot_dimension_numbers<[1], [1], [0], [0], [0, 0, 1, 0], [], []>, transpose_lhs_hint = false} : vector<8192x128xf32>, vector<128x128xf32>, vector<8192x128xf32> -> vector<8192x128xf32>
    %get3A_9 = arith.constant 0 : index
    %get3A_10 = arith.constant 0 : index
    %get3A_11 = vector.load %arg3[%get3A_9, %get3A_10] : memref<1x128xf32, #tpu.memory_space<vmem>>, vector<1x128xf32>
    %add3A = vector.broadcast %get3A_11 : vector<1x128xf32> to vector<8192x128xf32>
    %add3A_12 = arith.addf %dot_general3A_8, %add3A : vector<8192x128xf32>
    %get3A_13 = arith.constant 0 : index
    %get3A_14 = arith.constant 0 : index
    %get3A_15 = vector.load %arg4[%get3A_13, %get3A_14] : memref<128x128xf32, #tpu.memory_space<vmem>>, vector<128x128xf32>
    %dot_general3A_16 = arith.constant dense<0.000000e+00> : vector<8192x128xf32>
    %dot_general3A_17 = tpu.matmul %reshape3A, %get3A_15, %dot_general3A_16 {dimension_numbers = #tpu.dot_dimension_numbers<[1], [1], [0], [0], [0, 0, 1, 0], [], []>, transpose_lhs_hint = false} : vector<8192x128xf32>, vector<128x128xf32>, vector<8192x128xf32> -> vector<8192x128xf32>
    %get3A_18 = arith.constant 0 : index
    %get3A_19 = arith.constant 0 : index
    %get3A_20 = vector.load %arg5[%get3A_18, %get3A_19] : memref<1x128xf32, #tpu.memory_space<vmem>>, vector<1x128xf32>
    %add3A_21 = vector.broadcast %get3A_20 : vector<1x128xf32> to vector<8192x128xf32>
    %add3A_22 = arith.addf %dot_general3A_17, %add3A_21 : vector<8192x128xf32>
    %reshape3A_23 = vector.shape_cast %add3A_12 : vector<8192x128xf32> to vector<64x128x128xf32>
    %swap3A = arith.constant 0 : index
    %swap3A_24 = arith.constant 0 : index
    %swap3A_25 = arith.constant 0 : index
    %swap3A_26 = vector.load %arg7[%swap3A, %swap3A_24, %swap3A_25] : memref<64x128x128xf32, #tpu.memory_space<vmem>>, vector<64x128x128xf32>
    tpu.vector_store %arg7[%swap3A, %swap3A_24, %swap3A_25], %reshape3A_23 {strides = array<i32>} : memref<64x128x128xf32, #tpu.memory_space<vmem>>, vector<64x128x128xf32>,
    %reshape3A_27 = vector.shape_cast %add3A_22 : vector<8192x128xf32> to vector<64x128x128xf32>
    %swap3A_28 = arith.constant 0 : index
    %swap3A_29 = arith.constant 0 : index
    %swap3A_30 = arith.constant 0 : index
    %swap3A_31 = vector.load %arg8[%swap3A_28, %swap3A_29, %swap3A_30] : memref<64x128x128xf32, #tpu.memory_space<vmem>>, vector<64x128x128xf32>
    tpu.vector_store %arg8[%swap3A_28, %swap3A_29, %swap3A_30], %reshape3A_27 {strides = array<i32>} : memref<64x128x128xf32, #tpu.memory_space<vmem>>, vector<64x128x128xf32>,
    %sqrt3A = arith.constant 1.280000e+02 : f32
    %sqrt3A_32 = math.sqrt %sqrt3A : f32
    %scan3A = arith.constant 0 : i32
    %scan3A_33 = arith.constant 64 : i32
    %scan3A_34 = arith.addi %scan3A, %scan3A_33 : i32
    %scan3A_35 = arith.constant 1 : i32
    scf.for %scan3A_37 = %scan3A to %scan3A_34 step %scan3A_35  : i32 {
      %get3A_38 = arith.index_cast %scan3A_37 : i32 to index
      %get3A_39 = arith.constant 0 : index
      %get3A_40 = arith.constant 0 : index
      %get3A_41 = vector.load %arg7[%get3A_38, %get3A_39, %get3A_40] : memref<64x128x128xf32, #tpu.memory_space<vmem>>, vector<1x128x128xf32>
      %get3A_42 = vector.shape_cast %get3A_41 : vector<1x128x128xf32> to vector<128x128xf32>
      %get3A_43 = arith.index_cast %scan3A_37 : i32 to index
      %get3A_44 = arith.constant 0 : index
      %get3A_45 = arith.constant 0 : index
      %get3A_46 = vector.load %arg8[%get3A_43, %get3A_44, %get3A_45] : memref<64x128x128xf32, #tpu.memory_space<vmem>>, vector<1x128x128xf32>
      %get3A_47 = vector.shape_cast %get3A_46 : vector<1x128x128xf32> to vector<128x128xf32>
      %dot_general3A_48 = arith.constant dense<0.000000e+00> : vector<128x128xf32>
      %dot_general3A_49 = tpu.matmul %get3A_42, %get3A_47, %dot_general3A_48 {dimension_numbers = #tpu.dot_dimension_numbers<[1], [1], [0], [0], [0, 0, 1, 0], [], []>, transpose_lhs_hint = false} : vector<128x128xf32>, vector<128x128xf32>, vector<128x128xf32> -> vector<128x128xf32>
      %div3A = vector.broadcast %sqrt3A_32 : f32 to vector<128x128xf32>
      %div3A_50 = arith.divf %dot_general3A_49, %div3A : vector<128x128xf32>
      %div3A_51 = arith.constant 0.00999999977 : f32
      %div3A_52 = vector.broadcast %div3A_51 : f32 to vector<128x128xf32>
      %div3A_53 = arith.divf %div3A_50, %div3A_52 : vector<128x128xf32>
      %reduce_max3A = arith.constant dense<0xFF800000> : vector<128xf32>
      %reduce_max3A_54 = vector.multi_reduction <maximumf>, %div3A_53, %reduce_max3A [1] : vector<128x128xf32> to vector<128xf32>
      %broadcast_in_dim3A = vector.shape_cast %reduce_max3A_54 : vector<128xf32> to vector<128x1xf32>
      %sub3A = vector.broadcast %broadcast_in_dim3A : vector<128x1xf32> to vector<128x128xf32>
      %sub3A_55 = arith.subf %div3A_53, %sub3A : vector<128x128xf32>
      %exp3A = math.exp %sub3A_55 : vector<128x128xf32>
      %reduce_sum3A = arith.constant dense<0.000000e+00> : vector<128xf32>
      %reduce_sum3A_56 = vector.multi_reduction <add>, %exp3A, %reduce_sum3A [1] : vector<128x128xf32> to vector<128xf32>
      %broadcast_in_dim3A_57 = vector.shape_cast %reduce_sum3A_56 : vector<128xf32> to vector<128x1xf32>
      %div3A_58 = vector.broadcast %broadcast_in_dim3A_57 : vector<128x1xf32> to vector<128x128xf32>
      %div3A_59 = arith.divf %exp3A, %div3A_58 : vector<128x128xf32>
      %div3A_60 = arith.constant 0.00999999977 : f32
      %div3A_61 = vector.broadcast %div3A_60 : f32 to vector<128x128xf32>
      %div3A_62 = arith.divf %div3A_59, %div3A_61 : vector<128x128xf32>
      %reduce_max3A_63 = arith.constant dense<0xFF800000> : vector<128xf32>
      %reduce_max3A_64 = vector.multi_reduction <maximumf>, %div3A_62, %reduce_max3A_63 [0] : vector<128x128xf32> to vector<128xf32>
      %broadcast_in_dim3A_65 = vector.shape_cast %reduce_max3A_64 : vector<128xf32> to vector<1x128xf32>
      %sub3A_66 = vector.broadcast %broadcast_in_dim3A_65 : vector<1x128xf32> to vector<128x128xf32>
      %sub3A_67 = arith.subf %div3A_62, %sub3A_66 : vector<128x128xf32>
      %exp3A_68 = math.exp %sub3A_67 : vector<128x128xf32>
      %reduce_sum3A_69 = arith.constant dense<0.000000e+00> : vector<128xf32>
      %reduce_sum3A_70 = vector.multi_reduction <add>, %exp3A_68, %reduce_sum3A_69 [0] : vector<128x128xf32> to vector<128xf32>
      %broadcast_in_dim3A_71 = vector.shape_cast %reduce_sum3A_70 : vector<128xf32> to vector<1x128xf32>
      %div3A_72 = vector.broadcast %broadcast_in_dim3A_71 : vector<1x128xf32> to vector<128x128xf32>
      %div3A_73 = arith.divf %exp3A_68, %div3A_72 : vector<128x128xf32>
      %transpose3A = tpu.transpose %div3A_73, [1, 0] : vector<128x128xf32> -> vector<128x128xf32>
      %add3A_74 = arith.addf %div3A_73, %transpose3A : vector<128x128xf32>
      %div3A_75 = arith.constant 2.000000e+00 : f32
      %div3A_76 = vector.broadcast %div3A_75 : f32 to vector<128x128xf32>
      %div3A_77 = arith.divf %add3A_74, %div3A_76 : vector<128x128xf32>
      %ge3A = arith.constant 1.000000e-01 : f32
      %ge3A_78 = vector.broadcast %ge3A : f32 to vector<128x128xf32>
      %ge3A_79 = arith.cmpf oge, %div3A_77, %ge3A_78 : vector<128x128xf32>
      %broadcast_in_dim3A_80 = arith.constant 0.000000e+00 : f32
      %broadcast_in_dim3A_81 = vector.broadcast %broadcast_in_dim3A_80 : f32 to vector<128x128xf32>
      %select_n3A = arith.select %ge3A_79, %div3A_77, %broadcast_in_dim3A_81 : vector<128x128xi1>, vector<128x128xf32>
      %swap3A_82 = arith.constant 0 : index
      %swap3A_83 = arith.index_cast %scan3A_37 : i32 to index
      %swap3A_84 = arith.constant 0 : index
      %swap3A_85 = arith.constant 0 : index
      %swap3A_86 = vector.load %arg6[%swap3A_82, %swap3A_83, %swap3A_84, %swap3A_85] : memref<1x64x128x128xf32, #tpu.memory_space<vmem>>, vector<1x1x128x128xf32>
      %swap3A_87 = vector.shape_cast %swap3A_86 : vector<1x1x128x128xf32> to vector<128x128xf32>
      %swap3A_88 = vector.shape_cast %select_n3A : vector<128x128xf32> to vector<1x1x128x128xf32>
      tpu.vector_store %arg6[%swap3A_82, %swap3A_83, %swap3A_84, %swap3A_85], %swap3A_88 {strides = array<i32>} : memref<1x64x128x128xf32, #tpu.memory_space<vmem>>, vector<1x1x128x128xf32>,
    }
    %scan3A_36 = arith.constant 64 : i32
    return
  }
  func.func @transform_0(%arg0: i32) -> (i32, i32, i32, i32) {
    %c0_i32 = arith.constant 0 : i32
    %c0_i32_0 = arith.constant 0 : i32
    %c0_i32_1 = arith.constant 0 : i32
    %c0_i32_2 = arith.constant 0 : i32
    return %arg0, %c0_i32, %c0_i32_0, %c0_i32_1 : i32, i32, i32, i32
  }
  func.func @transform_1(%arg0: i32) -> (i32, i32) {
    %c0_i32 = arith.constant 0 : i32
    %c0_i32_0 = arith.constant 0 : i32
    %c0_i32_1 = arith.constant 0 : i32
    return %c0_i32, %c0_i32_0 : i32, i32
  }
  func.func @transform_2(%arg0: i32) -> (i32, i32) {
    %c0_i32 = arith.constant 0 : i32
    %c0_i32_0 = arith.constant 0 : i32
    %c0_i32_1 = arith.constant 0 : i32
    return %c0_i32, %c0_i32_0 : i32, i32
  }
  func.func @transform_3(%arg0: i32) -> (i32, i32) {
    %c0_i32 = arith.constant 0 : i32
    %c0_i32_0 = arith.constant 0 : i32
    %c0_i32_1 = arith.constant 0 : i32
    return %c0_i32, %c0_i32_0 : i32, i32
  }
  func.func @transform_4(%arg0: i32) -> (i32, i32) {
    %c0_i32 = arith.constant 0 : i32
    %c0_i32_0 = arith.constant 0 : i32
    %c0_i32_1 = arith.constant 0 : i32
    return %c0_i32, %c0_i32_0 : i32, i32
  }
  func.func @transform_5(%arg0: i32) -> (i32, i32, i32, i32) {
    %c0_i32 = arith.constant 0 : i32
    %c0_i32_0 = arith.constant 0 : i32
    %c0_i32_1 = arith.constant 0 : i32
    %c0_i32_2 = arith.constant 0 : i32
    return %arg0, %c0_i32, %c0_i32_0, %c0_i32_1 : i32, i32, i32, i32
  }
}

module attributes {stable_mosaic.version = 14 : i64} {
  func.func @_emit_kernel(%arg0: i32, %arg1: memref<1x64x2048xf32, #tpu.memory_space<vmem>>, %arg2: memref<2048x1xf32, #tpu.memory_space<vmem>>, %arg3: memref<2048x64xf32, #tpu.memory_space<vmem>>, %arg4: memref<2x2048x64xi32, #tpu.memory_space<vmem>>) attributes {dimension_semantics = [#tpu.dimension_semantics<arbitrary>], iteration_bounds = array<i64: 33>, scalar_prefetch = 0 : i64, scratch_operands = 0 : i64, tpu.core_type = #tpu.core_type<tc>, window_params = [{transform_indices = @transform_0, window_bounds = array<i64: 1, 64, 2048>}, {transform_indices = @transform_1, window_bounds = array<i64: 2048, 1>}, {transform_indices = @transform_2, window_bounds = array<i64: 2048, 64>}, {transform_indices = @transform_3, window_bounds = array<i64: 2, 2048, 64>}]} {
    %get3A = arith.constant 0 : index
    %get3A_0 = arith.constant 0 : index
    %get3A_1 = arith.constant 0 : index
    %get3A_2 = vector.load %arg1[%get3A, %get3A_0, %get3A_1] : memref<1x64x2048xf32, #tpu.memory_space<vmem>>, vector<1x64x2048xf32>
    %get3A_3 = vector.shape_cast %get3A_2 : vector<1x64x2048xf32> to vector<64x2048xf32>
    %transpose3A = tpu.transpose %get3A_3, [1, 0] : vector<64x2048xf32> -> vector<2048x64xf32>
    %get3A_4 = arith.constant 0 : index
    %get3A_5 = arith.constant 0 : index
    %get3A_6 = vector.load %arg2[%get3A_4, %get3A_5] : memref<2048x1xf32, #tpu.memory_space<vmem>>, vector<2048x1xf32>
    %add3A = vector.broadcast %get3A_6 : vector<2048x1xf32> to vector<2048x64xf32>
    %add3A_7 = arith.addf %transpose3A, %add3A : vector<2048x64xf32>
    %mul3A = arith.constant 2048 : i32
    %mul3A_8 = arith.muli %arg0, %mul3A : i32
    %iota3A = tpu.iota {dimensions = array<i32: 0>} : vector<2048x1xi32>
    %add3A_9 = vector.broadcast %mul3A_8 : i32 to vector<2048x1xi32>
    %add3A_10 = arith.addi %add3A_9, %iota3A : vector<2048x1xi32>
    %shift_right_logical3A = arith.constant 7 : i32
    %shift_right_logical3A_11 = vector.broadcast %shift_right_logical3A : i32 to vector<2048x1xi32>
    %shift_right_logical3A_12 = arith.shrui %add3A_10, %shift_right_logical3A_11 : vector<2048x1xi32>
    %and3A = arith.constant 127 : i32
    %and3A_13 = vector.broadcast %and3A : i32 to vector<2048x1xi32>
    %and3A_14 = arith.andi %shift_right_logical3A_12, %and3A_13 : vector<2048x1xi32>
    %and3A_15 = arith.constant 127 : i32
    %and3A_16 = vector.broadcast %and3A_15 : i32 to vector<2048x1xi32>
    %and3A_17 = arith.andi %add3A_10, %and3A_16 : vector<2048x1xi32>
    %eq3A = arith.cmpi eq, %and3A_14, %and3A_17 : vector<2048x1xi32>
    %jit3A = arith.constant 0.000000e+00 : f32
    %broadcast_in_dim3A = vector.shape_cast %eq3A : vector<2048x1xi1> to vector<2048x1xi1>
    %broadcast_in_dim3A_18 = vector.broadcast %broadcast_in_dim3A : vector<2048x1xi1> to vector<2048x64xi1>
    %broadcast_in_dim3A_19 = vector.broadcast %jit3A : f32 to vector<2048x64xf32>
    %select_n3A = arith.select %broadcast_in_dim3A_18, %broadcast_in_dim3A_19, %add3A_7 : vector<2048x64xi1>, vector<2048x64xf32>
    %ge3A = arith.constant 65536 : i32
    %ge3A_20 = vector.broadcast %ge3A : i32 to vector<2048x1xi32>
    %ge3A_21 = arith.cmpi sge, %add3A_10, %ge3A_20 : vector<2048x1xi32>
    %jit3A_22 = arith.constant 1.000000e+00 : f32
    %broadcast_in_dim3A_23 = vector.shape_cast %ge3A_21 : vector<2048x1xi1> to vector<2048x1xi1>
    %broadcast_in_dim3A_24 = vector.broadcast %broadcast_in_dim3A_23 : vector<2048x1xi1> to vector<2048x64xi1>
    %broadcast_in_dim3A_25 = vector.broadcast %jit3A_22 : f32 to vector<2048x64xf32>
    %select_n3A_26 = arith.select %broadcast_in_dim3A_24, %broadcast_in_dim3A_25, %select_n3A : vector<2048x64xi1>, vector<2048x64xf32>
    %ne3A = arith.constant 0.000000e+00 : f32
    %ne3A_27 = vector.broadcast %ne3A : f32 to vector<2048x64xf32>
    %ne3A_28 = arith.cmpf one, %select_n3A_26, %ne3A_27 : vector<2048x64xf32>
    %shift_right_logical3A_29 = arith.constant 7 : i32
    %shift_right_logical3A_30 = vector.broadcast %shift_right_logical3A_29 : i32 to vector<2048x1xi32>
    %shift_right_logical3A_31 = arith.shrui %add3A_10, %shift_right_logical3A_30 : vector<2048x1xi32>
    %shift_right_logical3A_32 = arith.constant 14 : i32
    %shift_right_logical3A_33 = vector.broadcast %shift_right_logical3A_32 : i32 to vector<2048x1xi32>
    %shift_right_logical3A_34 = arith.shrui %add3A_10, %shift_right_logical3A_33 : vector<2048x1xi32>
    %shift_left3A = arith.constant 7 : i32
    %shift_left3A_35 = vector.broadcast %shift_left3A : i32 to vector<2048x1xi32>
    %shift_left3A_36 = arith.shli %shift_right_logical3A_34, %shift_left3A_35 : vector<2048x1xi32>
    %or3A = arith.ori %shift_left3A_36, %and3A_17 : vector<2048x1xi32>
    %sub3A = arith.constant 65536 : i32
    %sub3A_37 = vector.broadcast %sub3A : i32 to vector<2048x1xi32>
    %sub3A_38 = arith.subi %add3A_10, %sub3A_37 : vector<2048x1xi32>
    %jit3A_39 = arith.constant -1 : i32
    %broadcast_in_dim3A_40 = vector.shape_cast %shift_right_logical3A_31 : vector<2048x1xi32> to vector<2048x1xi32>
    %broadcast_in_dim3A_41 = vector.broadcast %broadcast_in_dim3A_40 : vector<2048x1xi32> to vector<2048x64xi32>
    %broadcast_in_dim3A_42 = vector.broadcast %jit3A_39 : i32 to vector<2048x64xi32>
    %select_n3A_43 = arith.select %ne3A_28, %broadcast_in_dim3A_41, %broadcast_in_dim3A_42 : vector<2048x64xi1>, vector<2048x64xi32>
    %broadcast_in_dim3A_44 = vector.shape_cast %ge3A_21 : vector<2048x1xi1> to vector<2048x1xi1>
    %broadcast_in_dim3A_45 = vector.broadcast %broadcast_in_dim3A_44 : vector<2048x1xi1> to vector<2048x64xi1>
    %broadcast_in_dim3A_46 = vector.shape_cast %sub3A_38 : vector<2048x1xi32> to vector<2048x1xi32>
    %broadcast_in_dim3A_47 = vector.broadcast %broadcast_in_dim3A_46 : vector<2048x1xi32> to vector<2048x64xi32>
    %select_n3A_48 = arith.select %broadcast_in_dim3A_45, %broadcast_in_dim3A_47, %select_n3A_43 : vector<2048x64xi1>, vector<2048x64xi32>
    %jit3A_49 = arith.constant -1 : i32
    %broadcast_in_dim3A_50 = vector.shape_cast %or3A : vector<2048x1xi32> to vector<2048x1xi32>
    %broadcast_in_dim3A_51 = vector.broadcast %broadcast_in_dim3A_50 : vector<2048x1xi32> to vector<2048x64xi32>
    %broadcast_in_dim3A_52 = vector.broadcast %jit3A_49 : i32 to vector<2048x64xi32>
    %select_n3A_53 = arith.select %ne3A_28, %broadcast_in_dim3A_51, %broadcast_in_dim3A_52 : vector<2048x64xi1>, vector<2048x64xi32>
    %broadcast_in_dim3A_54 = vector.shape_cast %ge3A_21 : vector<2048x1xi1> to vector<2048x1xi1>
    %broadcast_in_dim3A_55 = vector.broadcast %broadcast_in_dim3A_54 : vector<2048x1xi1> to vector<2048x64xi1>
    %broadcast_in_dim3A_56 = vector.shape_cast %sub3A_38 : vector<2048x1xi32> to vector<2048x1xi32>
    %broadcast_in_dim3A_57 = vector.broadcast %broadcast_in_dim3A_56 : vector<2048x1xi32> to vector<2048x64xi32>
    %select_n3A_58 = arith.select %broadcast_in_dim3A_55, %broadcast_in_dim3A_57, %select_n3A_53 : vector<2048x64xi1>, vector<2048x64xi32>
    %swap3A = arith.constant 0 : index
    %swap3A_59 = arith.constant 0 : index
    %swap3A_60 = vector.load %arg3[%swap3A, %swap3A_59] : memref<2048x64xf32, #tpu.memory_space<vmem>>, vector<2048x64xf32>
    tpu.vector_store %arg3[%swap3A, %swap3A_59], %select_n3A_26 {strides = array<i32>} : memref<2048x64xf32, #tpu.memory_space<vmem>>, vector<2048x64xf32>,
    %swap3A_61 = arith.constant 0 : index
    %swap3A_62 = arith.constant 0 : index
    %swap3A_63 = arith.constant 0 : index
    %swap3A_64 = vector.load %arg4[%swap3A_61, %swap3A_62, %swap3A_63] : memref<2x2048x64xi32, #tpu.memory_space<vmem>>, vector<1x2048x64xi32>
    %swap3A_65 = vector.shape_cast %swap3A_64 : vector<1x2048x64xi32> to vector<2048x64xi32>
    %swap3A_66 = vector.shape_cast %select_n3A_48 : vector<2048x64xi32> to vector<1x2048x64xi32>
    tpu.vector_store %arg4[%swap3A_61, %swap3A_62, %swap3A_63], %swap3A_66 {strides = array<i32>} : memref<2x2048x64xi32, #tpu.memory_space<vmem>>, vector<1x2048x64xi32>,
    %swap3A_67 = arith.constant 1 : index
    %swap3A_68 = arith.constant 0 : index
    %swap3A_69 = arith.constant 0 : index
    %swap3A_70 = vector.load %arg4[%swap3A_67, %swap3A_68, %swap3A_69] : memref<2x2048x64xi32, #tpu.memory_space<vmem>>, vector<1x2048x64xi32>
    %swap3A_71 = vector.shape_cast %swap3A_70 : vector<1x2048x64xi32> to vector<2048x64xi32>
    %swap3A_72 = vector.shape_cast %select_n3A_58 : vector<2048x64xi32> to vector<1x2048x64xi32>
    tpu.vector_store %arg4[%swap3A_67, %swap3A_68, %swap3A_69], %swap3A_72 {strides = array<i32>} : memref<2x2048x64xi32, #tpu.memory_space<vmem>>, vector<1x2048x64xi32>,
    return
  }
  func.func @transform_0(%arg0: i32) -> (i32, i32, i32) {
    %jit3A = arith.constant 8 : i32
    %div3A = arith.divsi %arg0, %jit3A : i32
    %sign3A = arith.constant 0 : i32
    %sign3A_0 = arith.cmpi sgt, %arg0, %sign3A : i32
    %sign3A_1 = arith.extui %sign3A_0 : i1 to i32
    %sign3A_2 = arith.constant 0 : i32
    %sign3A_3 = arith.cmpi slt, %arg0, %sign3A_2 : i32
    %sign3A_4 = arith.extui %sign3A_3 : i1 to i32
    %sign3A_5 = arith.subi %sign3A_1, %sign3A_4 : i32
    %sign3A_6 = arith.constant 0 : i32
    %sign3A_7 = arith.cmpi sgt, %jit3A, %sign3A_6 : i32
    %sign3A_8 = arith.extui %sign3A_7 : i1 to i32
    %sign3A_9 = arith.constant 0 : i32
    %sign3A_10 = arith.cmpi slt, %jit3A, %sign3A_9 : i32
    %sign3A_11 = arith.extui %sign3A_10 : i1 to i32
    %sign3A_12 = arith.subi %sign3A_8, %sign3A_11 : i32
    %ne3A = arith.cmpi ne, %sign3A_5, %sign3A_12 : i32
    %rem3A = arith.remsi %arg0, %jit3A : i32
    %ne3A_13 = arith.constant 0 : i32
    %ne3A_14 = arith.cmpi ne, %rem3A, %ne3A_13 : i32
    %and3A = arith.andi %ne3A, %ne3A_14 : i1
    %sub3A = arith.constant 1 : i32
    %sub3A_15 = arith.subi %div3A, %sub3A : i32
    %select_n3A = arith.select %and3A, %sub3A_15, %div3A : i32
    %min3A = arith.constant 3 : i32
    %min3A_16 = arith.minsi %select_n3A, %min3A : i32
    %ge3A = arith.constant 32 : i32
    %ge3A_17 = arith.cmpi sge, %arg0, %ge3A : i32
    %rem3A_18 = arith.constant 8 : i32
    %rem3A_19 = arith.remsi %arg0, %rem3A_18 : i32
    %jit3A_20 = arith.constant 7 : i32
    %select_n3A_21 = arith.select %ge3A_17, %jit3A_20, %rem3A_19 : i32
    %c0_i32 = arith.constant 0 : i32
    %c0_i32_22 = arith.constant 0 : i32
    return %min3A_16, %c0_i32, %select_n3A_21 : i32, i32, i32
  }
  func.func @transform_1(%arg0: i32) -> (i32, i32) {
    %min3A = arith.constant 31 : i32
    %min3A_0 = arith.minsi %arg0, %min3A : i32
    %c0_i32 = arith.constant 0 : i32
    %c0_i32_1 = arith.constant 0 : i32
    return %min3A_0, %c0_i32 : i32, i32
  }
  func.func @transform_2(%arg0: i32) -> (i32, i32) {
    %c0_i32 = arith.constant 0 : i32
    %c0_i32_0 = arith.constant 0 : i32
    return %arg0, %c0_i32 : i32, i32
  }
  func.func @transform_3(%arg0: i32) -> (i32, i32, i32) {
    %c0_i32 = arith.constant 0 : i32
    %c0_i32_0 = arith.constant 0 : i32
    %c0_i32_1 = arith.constant 0 : i32
    return %c0_i32, %arg0, %c0_i32_0 : i32, i32, i32
  }
}

</mosaic_0001>

<sc_bundles>
// kernel: kernel.5.cloned.1.call-start
scs
__scs_entry_jumppad:
0x0: {  	(pc) =	sbr.rel $0x88, $3  }
0x1: {  	(tag) =	ssettag $0x0;
	lr =	simm.s32 $0x1  }
0x2: {  	[smem:$0x3F9A] =	sst lr;
	_ =	strace $0xD0000000  }
0x3: {  	_ = 	snop  }
0x4: {  	_ = 	snop  }
0x5: {  	_ = 	snop  }
0x6: {  	_ = 	snop  }
0x7: {  	_ = 	snop  }
__scs_overlays_trampoline_lowered:
0x8: {  	[smem:$0x3FA9] =	sst s0  }
0x9: {  	[smem:$0x3FAA] =	sst s1  }
0xa: {  	[smem:$0x3FAB] =	sst s2  }
0xb: {  	[smem:$0x3FAC] =	sst s3  }
0xc: {  	[smem:$0x3FAD] =	sst s4  }
0xd: {  	[smem:$0x3FAE] =	sst s5  }
0xe: {  	[smem:$0x3FAF] =	sst s6  }
0xf: {  	[smem:$0x3FB0] =	sst s7  }
0x10: {  	[smem:$0x3FB1] =	sst s8  }
0x11: {  	[smem:$0x3FB2] =	sst s9;
	s0 =	simm.s32 @!p0 $0x0  }
0x12: {  	s1 =	sld [smem:$0x3F98];
	s0 =	simm.s32 @p0 $0x1  }
0x13: {  	[smem:$0x3FB3] =	sst s0;
	s0 =	simm.s32 @!p1 $0x0  }
0x14: {  	s2 =	sld [smem:$0x3F97];
	s0 =	simm.s32 @p1 $0x1  }
0x15: {  	[smem:$0x3FB4] =	sst s0;
	s0 =	simm.s32 @!p2 $0x0  }
0x16: {  	s3 =	sld [smem:$0x3FDB];
	s0 =	simm.s32 @p2 $0x1  }
0x17: {  	s4 =	simm.s32 $0x1BF5;
	[smem:$0x3FB6] =	sst s0  }
0x18: {  	s0 =	sld [smem:$0x3F99];
	_ =	swait.ge [sflag:s4], $0x0  }
0x19: {  	s7 =	sld [smem:$0x3F9A]  }
0x1a: {  	s8 =	sadd.s32 $0xFFFFE003, lr  }
0x1b: {  	s9 =	sadd.s32 $0xFFFFFEF7, lr;
	s5 =	simm.s32 $0xFFFFFFFF;
	p2 =	slt.u32 s8, $0xFFFFF086  }
0x1c: {  	p1 =	slt.u32 s9, $0xF7A;
	s5 =	simm.s32 @!p2 $0x0  }
0x1d: {  	s5 =	simm.s32 @p1 $0x1;
	p0 =	seq.s32 s7, s2  }
0x1e: {  	s7 =	smul.u32 @!p0 $0xF7A, s2;
	p2 =	seq.s32 @!p0 s5, $0x0  }
0x1f: {  	s9 =	smul.u32 $0xF7A, s1;
	s8 =	simm.s32 @!p0 $0x1BF5;
	p2 =	por !p2, p0  }
0x20: {  	[sflag:s8] =	ssyncset.s32 @!p0 $0xFFFFF086;
	s6 =	sadd.s32 @!p0 s3, s7;
	s7 =	simm.s32 @!p0 $0x108  }
0x21: {  	s3 =	sadd.s32 s3, s9;
	s6 =	sadd.s32 @!p0 $0x88, s6;
	s7 =	simm.s32 @p2 $0x1082  }
0x22: {  	[simem:s7], [sflag:s8] =	dma.local @!p0 [hbm:s6], $0xF7A  }
0x23: {  	s9 =	sor.u32 $0xD0000000, s2;
	s6 =	simm.s32 $0x108;
	_ =	swait.ge @!p0 [sflag:s8], $0x0  }
0x24: {  	s3 =	sadd.s32 $0x88, s3;
	s6 =	simm.s32 @!p1 $0x1082;
	[sflag:s4] =	ssyncset.s32 $0xFFFFF086  }
0x25: {  	[simem:s6], [sflag:s4] =	dma.local [hbm:s3], $0xF7A  }
0x26: {  	[smem:$0x3F9A] =	sst s1;
	(tag) =	ssettag s2;
	_ =	strace s9  }
0x27: {  	s1 =	sld [smem:$0x3FAA]  }
0x28: {  	s2 =	sld [smem:$0x3FAB]  }
0x29: {  	s4 =	sld [smem:$0x3FAD]  }
0x2a: {  	p0 =	seq.s32 s5, $0x0;
	s5 =	sld [smem:$0x3FAE]  }
0x2b: {  	s6 =	sld [smem:$0x3FAF]  }
0x2c: {  	s7 =	sld [smem:$0x3FB0]  }
0x2d: {  	s3 =	simm.s32 $0x108;
	s8 =	sld [smem:$0x3FB1]  }
0x2e: {  	s3 =	simm.s32 @!p0 $0x1082;
	s9 =	sld [smem:$0x3FB2]  }
0x2f: {  	lr =	sadd.s32 s0, s3;
	s0 =	sld [smem:$0x3FA9]  }
0x30: {  	s3 =	sld [smem:$0x3FAC]  }
0x31: {  	[smem:$0x3FB5] =	sst s10  }
0x32: {  	s10 =	sld [smem:$0x3FB3];
	_ =	sdelay $0x3  }
0x33: {  	p0 =	seq.s32 s10, $0x1;
	s10 =	sld [smem:$0x3FB5];
	_ =	sdelay $0x3  }
0x34: {  	[smem:$0x3FB5] =	sst s10  }
0x35: {  	s10 =	sld [smem:$0x3FB4];
	_ =	sdelay $0x3  }
0x36: {  	p1 =	seq.s32 s10, $0x1;
	s10 =	sld [smem:$0x3FB5];
	_ =	sdelay $0x3  }
0x37: {  	[smem:$0x3FB5] =	sst s10  }
0x38: {  	s10 =	sld [smem:$0x3FB6]  }
0x39: {  	_ = 	snop;
	(pc) =	sbr.ind lr, $3  }
0x3a: {  	_ = 	snop  }
0x3b: {  	_ = 	snop  }
0x3c: {  	p2 =	seq.s32 s10, $0x1;
	s10 =	sld [smem:$0x3FB5]  }
0x3d: {  	_ =	shalt  }
0x3e: {  	_ =	shalt  }
0x3f: {  	_ =	shalt  }
0x40: {  	_ =	shalt  }
0x41: {  	_ =	shalt  }
0x42: {  	_ =	shalt  }
0x43: {  	_ =	shalt  }
0x44: {  	_ =	shalt  }
0x45: {  	_ =	shalt  }
0x46: {  	_ =	shalt  }
0x47: {  	_ =	shalt  }
0x48: {  	_ =	shalt  }
0x49: {  	_ =	shalt  }
0x4a: {  	_ =	shalt  }
0x4b: {  	_ =	shalt  }
0x4c: {  	_ =	shalt  }
0x4d: {  	_ =	shalt  }
0x4e: {  	_ =	shalt  }
0x4f: {  	_ =	shalt  }
0x50: {  	_ =	shalt  }
0x51: {  	_ =	shalt  }
0x52: {  	_ =	shalt  }
0x53: {  	_ =	shalt  }
0x54: {  	_ =	shalt  }
0x55: {  	_ =	shalt  }
0x56: {  	_ =	shalt  }
0x57: {  	_ =	shalt  }
0x58: {  	_ =	shalt  }
0x59: {  	_ =	shalt  }
0x5a: {  	_ =	shalt  }
0x5b: {  	_ =	shalt  }
0x5c: {  	_ =	shalt  }
0x5d: {  	_ =	shalt  }
0x5e: {  	_ =	shalt  }
0x5f: {  	_ =	shalt  }
0x60: {  	_ =	shalt  }
0x61: {  	_ =	shalt  }
0x62: {  	_ =	shalt  }
0x63: {  	_ =	shalt  }
0x64: {  	_ =	shalt  }
0x65: {  	_ =	shalt  }
0x66: {  	_ =	shalt  }
0x67: {  	_ =	shalt  }
0x68: {  	_ =	shalt  }
0x69: {  	_ =	shalt  }
0x6a: {  	_ =	shalt  }
0x6b: {  	_ =	shalt  }
0x6c: {  	_ =	shalt  }
0x6d: {  	_ =	shalt  }
0x6e: {  	_ =	shalt  }
0x6f: {  	_ =	shalt  }
0x70: {  	_ =	shalt  }
0x71: {  	_ =	shalt  }
0x72: {  	_ =	shalt  }
0x73: {  	_ =	shalt  }
0x74: {  	_ =	shalt  }
0x75: {  	_ =	shalt  }
0x76: {  	_ =	shalt  }
0x77: {  	_ =	shalt  }
0x78: {  	_ =	shalt  }
0x79: {  	_ =	shalt  }
0x7a: {  	_ =	shalt  }
0x7b: {  	_ =	shalt  }
0x7c: {  	_ =	shalt  }
0x7d: {  	_ =	shalt  }
0x7e: {  	_ =	shalt  }
0x7f: {  	_ =	shalt  }
0x80: {  	_ =	shalt  }
0x81: {  	_ =	shalt  }
0x82: {  	_ =	shalt  }
0x83: {  	_ =	shalt  }
0x84: {  	_ =	shalt  }
0x85: {  	_ =	shalt  }
0x86: {  	_ =	shalt  }
0x87: {  	_ =	shalt  }
.Lfunc_end0:
.L_simem_size_0:
called_computation_lowered:
.L_overlay_start_0:
0x88: {  	s2 =	sld [smem:$0x3FD9]  }
0x89: {  	s3 =	sld [smem:$0x3FFE];
	_ =	sdelay $0x1  }
0x8a: {  	s1 =	srdreg.scid  }
0x8b: {  	s0 =	sand.u32 $0x1, s1  }
0x8c: {  	s14 =	sshll.u32 s0, $0xA;
	s2 =	sadd.s32 s3, s2  }
0x8d: {  	s2 =	sadd.s32 s2, s14  }
0x8e: {  	[smem:$0x3FC1] =	sst s2  }
0x8f: {  	_ = 	snop  }
0x90: {  	s2 =	sld [smem:$0x3FD0];
	_ =	sdelay $0x2  }
0x91: {  	s4 =	simm.s32 $0xA;
	s5 =	simm.s32 $0x10;
	s15 =	sld [smem:$0x3FC7]  }
0x92: {  	[smem:s5], [sflag:s4] =	dma.local [hbm:s2], $0x1  }
0x93: {  	_ =	swait.eq [sflag:s4], $0x1  }
0x94: {  	[sflag:s4] =	ssyncset.done $0x0  }
0x95: {  	[sflag:s4] =	ssyncadd.s32 $0xFFFFFFFF  }
0x96: {  	s16 =	sld [smem:$0x10];
	(tm) =	ssettm $0x1  }
0x97: {  	s17 =	sld [smem:$0x3FFB];
	_ =	sdelay $0x3  }
0x98: {  	_ =	strace s17  }
0x99: {  	s4 =	sld [smem:$0x3FFC];
	_ =	sdelay $0x3  }
0x9a: {  	_ =	strace s4  }
0x9b: {  	s4 =	sld [smem:$0x3FFD];
	_ =	sdelay $0x3  }
0x9c: {  	_ =	strace s4  }
0x9d: {  	_ =	strace $0x8FFFFFFF  }
0x9e: {  	s18 =	sld [smem:$0x3FDB];
	_ =	sdelay $0x1  }
0x9f: {  	s19 =	simm.s32 $_scs_section_size  }
0xa0: {  	s6 =	simm.s32 $_size__tile_overlayer_lowered;
	s7 =	simm.s32 $_tile_overlayer_lowered  }
0xa1: {  	s22 =	simm.s32 $0x1BFF;
	s21 =	sshll.u32 s7, $0x1;
	s4 =	sadd.s32 s19, s18  }
0xa2: {  	s8 =	simm.s32 $0x0;
	s20 =	sshll.u32 s6, $0x1;
	s6 =	sadd.s32 s21, s4  }
0xa3: {  	[timem:s8], [sflag:s22] =	dma.local [hbm:s6], s20  }
0xa4: {  	_ =	swait.ge [sflag:s22], s20  }
0xa5: {  	s5 =	ssub.s32 $0x0, s20;
	[sflag:s22] =	ssyncset.done $0x0  }
0xa6: {  	[sflag:s22] =	ssyncadd.s32 s5;
	_ =	sdelay $0x1  }
0xa7: {  	s23 =	simm.s32 $0x1B8B  }
0xa8: {  	_ =	swait.ge [sflag:s23], $0x1  }
0xa9: {  	[sflag:s23] =	ssyncset.done $0x0  }
0xaa: {  	s25 =	simm.s32 $0x1B8E;
	s24 =	sld [smem:$0x3FFE];
	[sflag:s23] =	ssyncadd.s32 $0xFFFFFFFF  }
0xab: {  	s26 =	simm.s32 $execute0_lowered;
	[smem:$0x3FD2] =	sst s25  }
0xac: {  	s6 =	sshll.u32 s26, $0x1;
	_ =	strace $0x80000046;
	[dreg:$0x1] =	wrdreg $0xFFFFFFFF  }
0xad: {  	s28 =	simm.s32 $_size_execute0_lowered;
	s4 =	sadd.s32 s4, s6;
	[dreg:$0x0] =	wrdreg $0x0  }
0xae: {  	s6 =	sshll.u32 s28, $0x1;
	[dreg:$0x2] =	wrdreg s4  }
0xaf: {  	[dreg:$0x3] =	wrdreg s6  }
0xb0: {  	[dreg:$0x4] =	wrdreg $0xC0  }
0xb1: {  	_ =	task [dreg:s8], $0x5FFFF  }
0xb2: {  	[dreg:$0x1] =	wrdreg $0xFFFFFFFF  }
0xb3: {  	[dreg:$0x0] =	wrdreg $0x60  }
0xb4: {  	[dreg:$0x2] =	wrdreg s24  }
0xb5: {  	[dreg:$0x3] =	wrdreg s16  }
0xb6: {  	[dreg:$0x4] =	wrdreg s15  }
0xb7: {  	[dreg:$0x5] =	wrdreg $0xC000  }
0xb8: {  	[dreg:$0x6] =	wrdreg $0x9  }
0xb9: {  	_ =	task.clear_ibuf [dreg:s8], $0x7FFFF;
	_ =	strace $0x90000046  }
0xba: {  	s29 =	simm.s32 $0x9;
	_ =	strace $0x80000048  }
0xbb: {  	_ =	swait.ge [sflag:s29], $0x1  }
0xbc: {  	[sflag:s29] =	ssyncadd.s32 $0xFFFFFFFF  }
0xbd: {  	_ =	strace $0x90000048  }
0xbe: {  	_ =	sfence  }
0xbf: {  	s30 =	sld [smem:$0x0];
	_ =	sdelay $0x2  }
0xc0: {  	s31 =	sshll.u32 s1, $0xD;
	s1 =	sshrl.u32 s1, $0x2  }
0xc1: {  	s3 =	sand.u32 $0x4000, s31;
	s1 =	sadd.s32 s1, s30  }
0xc2: {  	s0 =	sor.u32 s3, s0;
	s1 =	sshll.u32 s1, $0x11  }
0xc3: {  	s0 =	sor.u32 s1, s0  }
0xc4: {  	s0 =	sadd.s32 $0x8F2B, s0  }
0xc5: {  	[sflag:s0] =	ssyncadd.remote.s32 $0x1  }
0xc6: {  	_ =	sfence.sel $0xFFFF  }
0xc7: {  	[dreg:$0x0] =	wrdreg $0xFFFFFFFF;
	(pc) =	sbr.abs _section_cstart, $3  }
0xc8: {  	[dreg:$0x1] =	wrdreg $0xFFFFFFFF  }
0xc9: {  	_ =	task.clear_ibuf [dreg:s8], $0x2FFFF;
	_ =	strace $0x9FFFFFFF  }
0xca: {  	(tm) =	ssettm $0x7FFFFFFF  }
0xcb: {  	_ =	shalt  }
tec
execute0_lowered:
.L_overlay_start_1:
0x0: {  	(tag) =	ssettag $0x1  }
0x1: {  	s3 =	rddreg [dreg:$0x0]  }
0x2: {  	s6 =	rddreg [dreg:$0x1]  }
0x3: {  	s7 =	rddreg [dreg:$0x2]  }
0x4: {  	s1 =	rddreg [dreg:$0x3]  }
0x5: {  	s0 =	rddreg [dreg:$0x4]  }
0x6: {  	s4 =	srdreg.scid;
	s2 =	simm.s32 $0x0;
	s15 =	stileid.u32  }
0x7: {  	s13 =	simm.s32 $0x200;
	s14 =	simm.s32 $0x300;
	s17 =	simm.s32 $0x0  }
0x8: {  	s4 =	sand.u32 $0x1, s4;
	[smem:$0x7FF] =	sst s2;
	s5 =	sshll.u32 s15, $0xB  }
0x9: {  	s9 =	sshll.u32 s15, $0x5;
	p0 =	sne.s32 s15, $0x0;
	s15 =	sshll.u32 s15, $0x6  }
0xa: {  	s10 =	sshll.u32 s4, $0xF;
	_ =	strace $0x80000047;
	s4 =	ssub.s32 $0x2, s4  }
0xb: {  	s11 =	sadd.s32 s9, s3;
	s6 =	sadd.s32 s6, s9;
	s7 =	sadd.s32 s7, s9  }
0xc: {  	s15 =	sor.u32 $0x1C01, s15;
	s8 =	sor.u32 s5, s10;
	s31 =	sshrl.u32 s4, $0x1  }
0xd: {  	v0 =	vmov s10;
	s10 =	simm.s32 $0x400;
	s8 =	sshrl.u32 s8, $0x3;
	s12 =	ssub.s32 s4, s31  }
0xe: {  	s4 =	sadd.s32 $0x8000, s1;
	s8 =	sadd.s32 s8, s3;
	s3 =	sadd.s32 s5, s1  }
0xf: {  	v0 =	vsub.s32 $0x0, v0;
	s5 =	sadd.s32 $0x1200, s11;
	s9 =	smax.u32 s12, $0x1;
	s11 =	simm.s32 $0x1  }
0x10: {  	v1 =	vimm.f32 $0.0e+00;
	s12 =	simm.s32 $0x100;
	v0 =	vbroadcast v0, $0x0;
	s8 =	sadd.s32 $0x1400, s8;
	s16 =	sshrl.u32 s3, $0x3  }
.LBB2_1:
0x11: {  	s18 =	simm.s32 $0x40;
	s19 =	simm.s32 $0x0  }
.LBB2_2:
0x12: {  	p1 =	sne.s32 s18, $0x1FC0;
	[tilespmem:s19+$0x400] =	vst v1;
	s19 =	smov.u32 s18;
	s18 =	sadd.s32 $0x40, s18  }
.Ltmp0:
0x13: {  	(pc) =	sbr.rel @p1 .LBB2_2-.Ltmp0, $2  }
0x14: {  	_ =	sdelay $0x2  }
0x15: {  	s19 =	sshra.s32 s19, $0x2  }
0x16: {  	[tilespmem:s19+$0x400] =	vst v1  }
0x17: {  	[spmem:s3] =	stream.linear.scatter [tilespmem:s10], [sflag:$0x1], $0x800, $0x38;
	[tilespmem:$0x1408] =	vst v63  }
0x18: {  	_ =	swait.ge [sflag:s11], $0x800  }
0x19: {  	[sflag:s11] =	ssyncset.done $0x0  }
0x1a: {  	s18 =	simm.s32 @!p0 $0x400;
	[sflag:s11] =	ssyncadd.s32 $0xFFFFF800  }
0x1b: {  	[spmem:s4] =	stream.linear.scatter @!p0 [tilespmem:s18], [sflag:$0x1], $0x10, $0x38;
	[tilespmem:$0x1408] =	vst v63  }
0x1c: {  	s18 =	simm.s32 @!p0 $0x1  }
0x1d: {  	_ =	swait.ge @!p0 [sflag:s18], $0x10  }
0x1e: {  	[sflag:s18] =	ssyncset.done @!p0 $0x0  }
0x1f: {  	[sflag:s18] =	ssyncadd.s32 @!p0 $0xFFFFFFF0  }
0x20: {  	[tilespmem:s2], [sflag:$0x1] =	stream.linear.gather [hbm4b:s5+s2], $0x100, $0x38;
	[tilespmem:$0x1408] =	vst v63  }
0x21: {  	_ =	swait.ge [sflag:s11], $0x100  }
0x22: {  	[sflag:s11] =	ssyncset.done $0x0  }
0x23: {  	[sflag:s11] =	ssyncadd.s32 $0xFFFFFF00  }
0x24: {  	[tilespmem:s12], [sflag:$0x1] =	stream.linear.gather [hbm4b:s6+s2], $0x100, $0x38;
	[tilespmem:$0x1408] =	vst v63  }
0x25: {  	_ =	swait.ge [sflag:s11], $0x100  }
0x26: {  	[sflag:s11] =	ssyncset.done $0x0  }
0x27: {  	[sflag:s11] =	ssyncadd.s32 $0xFFFFFF00  }
0x28: {  	[tilespmem:s13], [sflag:$0x1] =	stream.linear.gather [hbm4b:s7+s2], $0x100, $0x38;
	[tilespmem:$0x1408] =	vst v63  }
0x29: {  	_ =	swait.ge [sflag:s11], $0x100  }
0x2a: {  	[sflag:s11] =	ssyncset.done $0x0  }
0x2b: {  	[sflag:s11] =	ssyncadd.s32 $0xFFFFFF00  }
0x2c: {  	v2 =	vld [tilespmem:$0x0]  }
0x2d: {  	v3 =	vld [tilespmem:$0x100]  }
0x2e: {  	v5 =	vld [tilespmem:$0x110]  }
0x2f: {  	v6 =	vld [tilespmem:$0x20]  }
0x30: {  	v7 =	vld [tilespmem:$0x120]  }
0x31: {  	v8 =	vld [tilespmem:$0x30]  }
0x32: {  	v9 =	vld [tilespmem:$0x130]  }
0x33: {  	v10 =	vld [tilespmem:$0x40]  }
0x34: {  	v11 =	vld [tilespmem:$0x140]  }
0x35: {  	v12 =	vld [tilespmem:$0x50]  }
0x36: {  	v13 =	vld [tilespmem:$0x150]  }
0x37: {  	v14 =	vld [tilespmem:$0x160]  }
0x38: {  	v27 =	vld [tilespmem:$0x70]  }
0x39: {  	v15 =	vld [tilespmem:$0x80]  }
0x3a: {  	v16 =	vld [tilespmem:$0x180]  }
0x3b: {  	v30 =	vld [tilespmem:$0x90]  }
0x3c: {  	v32 =	vld [tilespmem:$0x190]  }
0x3d: {  	v17 =	vld [tilespmem:$0xA0]  }
0x3e: {  	v34 =	vld [tilespmem:$0x1A0]  }
0x3f: {  	v35 =	vld [tilespmem:$0xB0]  }
0x40: {  	v18 =	vld [tilespmem:$0x1B0]  }
0x41: {  	v38 =	vld [tilespmem:$0xC0]  }
0x42: {  	v44 =	vld [tilespmem:$0xD0];
	v2 =	vshll.u32 v2, $0x7;
	v3 =	vand.u32 $0x7F, v3  }
0x43: {  	v47 =	vld [tilespmem:$0x1D0];
	v5 =	vand.u32 $0x7F, v5;
	v6 =	vshll.u32 v6, $0x7;
	v26 =	vand.u32 $0x7F, v7  }
0x44: {  	v49 =	vld [tilespmem:$0xE0];
	v8 =	vshll.u32 v8, $0x7;
	v9 =	vand.u32 $0x7F, v9;
	v10 =	vshll.u32 v10, $0x7  }
0x45: {  	v52 =	vld [tilespmem:$0x1E0];
	v11 =	vand.u32 $0x7F, v11;
	v31 =	vshll.u32 v12, $0x7;
	v13 =	vand.u32 $0x7F, v13  }
0x46: {  	v33 =	vand.u32 $0x7F, v14;
	v7 =	vshll.u32 v27, $0x7;
	v15 =	vshll.u32 v15, $0x7  }
0x47: {  	v36 =	vand.u32 $0x7F, v16;
	v40 =	vshll.u32 v30, $0x7;
	v42 =	vand.u32 $0x7F, v32  }
0x48: {  	v43 =	vshll.u32 v17, $0x7;
	v45 =	vand.u32 $0x7F, v34;
	v48 =	vshll.u32 v35, $0x7  }
0x49: {  	v4 =	vld [tilespmem:$0x10];
	v50 =	vand.u32 $0x7F, v18;
	v51 =	vshll.u32 v38, $0x7;
	v56 =	vshll.u32 v44, $0x7  }
0x4a: {  	v58 =	vand.u32 $0x7F, v47;
	v60 =	vshll.u32 v49, $0x7;
	v61 =	vand.u32 $0x7F, v52  }
0x4b: {  	v2 =	vadd.s32 v0, v2;
	v6 =	vadd.s32 v0, v6;
	v8 =	vadd.s32 v0, v8  }
0x4c: {  	v25 =	vld [tilespmem:$0x60];
	v10 =	vadd.s32 v0, v10;
	v7 =	vadd.s32 v0, v7;
	v37 =	vadd.s32 v0, v15  }
0x4d: {  	v46 =	vadd.s32 v0, v43;
	v53 =	vadd.s32 v0, v51;
	v2 =	vor.u32 v3, v2  }
0x4e: {  	v28 =	vld [tilespmem:$0x170];
	v3 =	vshll.u32 v4, $0x7;
	v8 =	vor.u32 v9, v8;
	v2 =	vmin.u32 v2, $0x8000  }
0x4f: {  	v29 =	vor.u32 v11, v10;
	v11 =	vadd.s32 v0, v31;
	v8 =	vmin.u32 v8, $0x8000;
	[tilespmem:$0x300] =	vst v2  }
0x50: {  	v41 =	vld [tilespmem:$0x1C0];
	v3 =	vadd.s32 v0, v3;
	v9 =	vmin.u32 v29, $0x8000;
	v11 =	vor.u32 v13, v11;
	[tilespmem:$0x330] =	vst v8  }
0x51: {  	v4 =	vshll.u32 v25, $0x7;
	v3 =	vor.u32 v5, v3;
	v11 =	vmin.u32 v11, $0x8000;
	[tilespmem:$0x340] =	vst v9  }
0x52: {  	v54 =	vld [tilespmem:$0xF0];
	v4 =	vadd.s32 v0, v4;
	v5 =	vor.u32 v26, v6;
	v3 =	vmin.u32 v3, $0x8000;
	[tilespmem:$0x350] =	vst v11  }
0x53: {  	v57 =	vld [tilespmem:$0x1F0];
	v4 =	vor.u32 v33, v4;
	v6 =	vand.u32 $0x7F, v28;
	v5 =	vmin.u32 v5, $0x8000;
	[tilespmem:$0x310] =	vst v3  }
0x54: {  	v39 =	vor.u32 v36, v37;
	v2 =	vor.u32 v6, v7;
	v3 =	vmin.u32 v4, $0x8000;
	[tilespmem:$0x320] =	vst v5  }
0x55: {  	v6 =	vadd.s32 v0, v40;
	v7 =	vand.u32 $0x7F, v41;
	v2 =	vmin.u32 v2, $0x8000;
	[tilespmem:$0x360] =	vst v3  }
0x56: {  	v5 =	vor.u32 v42, v6;
	v6 =	vor.u32 v45, v46;
	[tilespmem:$0x370] =	vst v2;
	v2 =	vmin.u32 v39, $0x8000  }
0x57: {  	v62 =	vshll.u32 v54, $0x7;
	v55 =	vor.u32 v7, v53;
	v59 =	vmin.u32 v6, $0x8000;
	[tilespmem:$0x380] =	vst v2  }
0x58: {  	v63 =	vand.u32 $0x7F, v57;
	v8 =	vadd.s32 v0, v48;
	v4 =	vmin.u32 v55, $0x8000;
	[tilespmem:$0x3A0] =	vst v59  }
0x59: {  	v7 =	vadd.s32 v0, v56;
	v3 =	vor.u32 v50, v8;
	v2 =	vmin.u32 v5, $0x8000;
	[tilespmem:$0x3C0] =	vst v4  }
0x5a: {  	v6 =	vadd.s32 v0, v60;
	v3 =	vmin.u32 v3, $0x8000;
	[tilespmem:$0x390] =	vst v2;
	v2 =	vor.u32 v58, v7  }
0x5b: {  	v5 =	vadd.s32 v0, v62;
	[tilespmem:$0x3B0] =	vst v3;
	v3 =	vor.u32 v61, v6;
	v2 =	vmin.u32 v2, $0x8000  }
0x5c: {  	v3 =	vmin.u32 v3, $0x8000;
	[tilespmem:$0x3D0] =	vst v2;
	v2 =	vor.u32 v63, v5  }
0x5d: {  	[tilespmem:$0x3E0] =	vst v3;
	v2 =	vmin.u32 v2, $0x8000  }
0x5e: {  	[tilespmem:$0x3F0] =	vst v2  }
0x5f: {  	[bflag:$0x0] =	sbarrier.arrive $0xFFFF  }
0x60: {  	[spmem:s1] =	stream.indirect.scatter.add.f32 [tilespmem:s13], [sflag:$0x1], $0x1, s14, s12, $0xb8;
	[tilespmem:$0x1408] =	vst v63  }
0x61: {  	_ =	swait.ge [sflag:s11], $0x100  }
0x62: {  	s17 =	sadd.s32 $0x1, s17;
	[sflag:s11] =	ssyncset.done $0x0  }
0x63: {  	p1 =	sne.s32 s17, s9;
	[sflag:s11] =	ssyncadd.s32 $0xFFFFFF00  }
.Ltmp1:
0x64: {  	[bflag:$0x0] =	sbarrier.arrive $0xFFFF;
	(pc) =	sbr.rel @p1 .LBB2_1-.Ltmp1, $4  }
0x65: {  	[hbm:s8], [sflag:s15] =	dma.local [spmem:s16], $0x100  }
0x66: {  	_ =	swait.ge [sflag:s11], $0x100  }
0x67: {  	[sflag:s11] =	ssyncset.done $0x0  }
0x68: {  	[sflag:s11] =	ssyncadd.s32 $0xFFFFFF00  }
0x69: {  	_ =	sfence.sel $0x180000  }
0x6a: {  	[bflag:$0x0] =	sbarrier.arrive $0xFFFF  }
0x6b: {  	_ =	strace $0x90000047  }
0x6c: {  	s0 =	sadd.s32 @!p0 $0x100000, s0;
	[bflag:$0x2] =	sbarrier.arrive $0xFFFF  }
0x6d: {  	[sflag:s0] =	ssyncadd.tile.s32 @!p0 $0x1;
	_ =	shalt  }
.Lfunc_end2:
_tile_overlayer_lowered:
.L_overlay_start_2:
0x6e: {  	(tag) =	ssettag $0x2  }
0x6f: {  	s0 =	rddreg [dreg:$0x0];
	s2 =	stileid.u32  }
0x70: {  	s1 =	rddreg [dreg:$0x1];
	p0 =	sne.s32 s2, $0x0  }
0x71: {  	s3 =	rddreg [dreg:$0x2];
	[bflag:$0x3] =	sbarrier.arrive $0xFFFF;
	s2 =	simm.s32 @!p0 $0x1C01  }
0x72: {  	[timem:s3], [sflag:s2] =	dma.local @!p0 [hbm:s0], s1  }
0x73: {  	s0 =	simm.s32 @!p0 $0x1  }
0x74: {  	_ =	swait.ge @!p0 [sflag:s0], s1  }
0x75: {  	s1 =	ssub.s32 @!p0 $0x0, s1;
	[sflag:s0] =	ssyncset.done @!p0 $0x0  }
0x76: {  	[sflag:s0] =	ssyncadd.s32 @!p0 s1  }
0x77: {  	[bflag:$0x3] =	sbarrier.arrive $0xFFFF  }
0x78: {  	_ =	shalt  }

</sc_bundles>
